<compile_context>
chip_gen: v7x
topology: tpu7x:2x2x1
jax: 0.10.2.dev20260603
libtpu: 0.0.44.dev20260713+nightly
codegen_flags: <defaults>
</compile_context>

<pallas_src>
import functools

import jax
import jax.numpy as jnp
from jax import lax
from jax.experimental import pallas as pl
from jax.experimental.pallas import tpu as pltpu
from jax.experimental.pallas import tpu_sc as plsc

HIDDEN = 64
POLICY_DIM = 7
D_FEAT = 128
BATCH_SIZE = 64
N_PIECE = 5000
N_CELL = 5000
N_EDGES = 320000
N_NODES = N_PIECE + N_CELL



def _leaky(x):
    return jnp.where(x >= 0, x, 0.01 * x)


def _ln_leaky(h, g, be):
    hL, hR = h[:, :HIDDEN], h[:, HIDDEN:]

    def one(side):
        mu = jnp.mean(side, axis=-1, keepdims=True)
        var = jnp.mean((side - mu) * (side - mu), axis=-1, keepdims=True)
        return (side - mu) * lax.rsqrt(var + 1e-5)

    hn = jnp.concatenate([one(hL), one(hR)], axis=1)
    return _leaky(hn * g + be)


def _stage_a_body(fp_ref, fc_ref, be_ref, bo_ref,
                  Wp_ref, bp_ref, gp_ref, bep_ref,
                  Wc_ref, bc_ref, gc_ref, bec_ref,
                  Wc1_ref, bc1_ref, Wc2_ref, bc2_ref,
                  x_hbm, critic_out, x_vmem, copy_sem):
    hp = _ln_leaky(jnp.dot(fp_ref[...], Wp_ref[...], preferred_element_type=jnp.float32) + bp_ref[...],
                   gp_ref[...], bep_ref[...])
    hc = _ln_leaky(jnp.dot(fc_ref[...], Wc_ref[...], preferred_element_type=jnp.float32) + bc_ref[...],
                   gc_ref[...], bec_ref[...])
    x_vmem[0:N_PIECE // 2, :] = hp
    x_vmem[N_PIECE // 2:N_NODES // 2, :] = hc
    pltpu.async_copy(x_vmem, x_hbm, copy_sem).wait()
    xpk = jnp.concatenate([hp, hc], axis=0)
    half = N_NODES // 2
    seg_ids = lax.broadcasted_iota(jnp.int32, (BATCH_SIZE, half), 0)
    ohE = (seg_ids == jnp.broadcast_to(be_ref[...], (BATCH_SIZE, half))).astype(jnp.float32)
    ohO = (seg_ids == jnp.broadcast_to(bo_ref[...], (BATCH_SIZE, half))).astype(jnp.float32)
    seg_sum = (jnp.dot(ohE, xpk[:, :HIDDEN], preferred_element_type=jnp.float32)
               + jnp.dot(ohO, xpk[:, HIDDEN:], preferred_element_type=jnp.float32))
    cnt = jnp.sum(ohE, axis=1, keepdims=True) + jnp.sum(ohO, axis=1, keepdims=True)
    pooled = seg_sum / jnp.maximum(cnt, 1.0)
    c1 = _leaky(jnp.dot(pooled, Wc1_ref[...], preferred_element_type=jnp.float32) + bc1_ref[...])
    critic_out[...] = jnp.dot(c1, Wc2_ref[...], preferred_element_type=jnp.float32) + bc2_ref[...]



_NW = 32
_CH = 1000


def _pair_body(n_edges, x_hbm, src_hbm, dst_hbm, pair_hbm,
               sidx_v, didx_v, src_v, dst_v, sem):
    half = n_edges // 2
    rpw = half // _NW
    wid = lax.axis_index("s") * 2 + lax.axis_index("c")
    base = wid * rpw

    def chunk(k, carry):
        roff = base + k * _CH

        def one_side(eoff, lane0):
            pltpu.sync_copy(src_hbm.at[pl.ds(eoff, _CH)], sidx_v)
            pltpu.sync_copy(dst_hbm.at[pl.ds(eoff, _CH)], didx_v)
            cp_s = pltpu.async_copy(x_hbm.at[sidx_v], src_v, sem)
            cp_d = pltpu.async_copy(x_hbm.at[didx_v], dst_v, sem)
            cp_s.wait()
            cp_d.wait()

            def mul_row(i, c):
                for j in range(HIDDEN // 16):
                    sl = pl.ds(j * 16, 16)
                    src_v[i, sl] = src_v[i, sl] * dst_v[i, sl]
                return c

            lax.fori_loop(0, _CH, mul_row, 0)
            pltpu.sync_copy(src_v,
                            pair_hbm.at[pl.ds(roff, _CH), pl.ds(lane0, HIDDEN)])

        one_side(roff, 0)
        one_side(half + roff, HIDDEN)
        return carry

    lax.fori_loop(0, rpw // _CH, chunk, 0)


def _make_pair(n_edges):
    mesh = plsc.VectorSubcoreMesh(core_axis_name="c", subcore_axis_name="s")
    return functools.partial(
        pl.kernel,
        mesh=mesh,
        out_type=jax.ShapeDtypeStruct((n_edges // 2, 2 * HIDDEN), jnp.float32),
        scratch_types=[
            pltpu.VMEM((_CH,), jnp.int32),
            pltpu.VMEM((_CH,), jnp.int32),
            pltpu.VMEM((_CH, HIDDEN), jnp.float32),
            pltpu.VMEM((_CH, HIDDEN), jnp.float32),
            pltpu.SemaphoreType.DMA,
        ],
        compiler_params=pltpu.CompilerParams(use_tc_tiling_on_sc=False),
    )(functools.partial(_pair_body, n_edges))



_ROWS = 1280


def _stage_c_body(pair_ref, W1_ref, b1_ref, W2_ref, b2_ref, out_ref):
    pair = pair_ref[...]
    h = _leaky(jnp.dot(pair, W1_ref[...], preferred_element_type=jnp.float32) + b1_ref[...])
    outT = lax.dot_general(W2_ref[...], h, (((0,), (1,)), ((), ())),
                           preferred_element_type=jnp.float32)
    out_ref[...] = outT + b2_ref[...]




def kernel(feat_piece, feat_cell, edge_src, edge_dst, batch,
           W_piece, b_piece, g_piece, be_piece,
           W_cell, b_cell, g_cell, be_cell,
           Wp1, bp1, Wp2, bp2, Wc1, bc1, Wc2, bc2):
    r1 = lambda v: v.reshape(1, -1)
    Wc2p = jnp.pad(Wc2, ((0, 0), (0, 7)))
    bc2p = jnp.pad(r1(bc2), ((0, 0), (0, 7)))
    Wp2p = jnp.pad(Wp2, ((0, 0), (0, 1)))
    bp2p = jnp.pad(r1(bp2), ((0, 0), (0, 1)))
    z = jnp.zeros((HIDDEN, HIDDEN), jnp.float32)
    W1b = jnp.block([[Wp1, z], [z, Wp1]])
    b1b = jnp.concatenate([r1(bp1), r1(bp1)], axis=1)
    z2 = jnp.zeros((HIDDEN, 8), jnp.float32)
    W2b = jnp.block([[Wp2p, z2], [z2, Wp2p]])
    b2b = jnp.concatenate([bp2p, bp2p], axis=1)

    zf = jnp.zeros((D_FEAT, HIDDEN), jnp.float32)
    Wpb = jnp.block([[W_piece, zf], [zf, W_piece]])
    Wcb = jnp.block([[W_cell, zf], [zf, W_cell]])
    dup = lambda v: jnp.concatenate([r1(v), r1(v)], axis=1)
    batch_even = batch[0::2].reshape(1, -1)
    batch_odd = batch[1::2].reshape(1, -1)

    x2, critic_pad = pl.pallas_call(
        _stage_a_body,
        out_shape=[
            jax.ShapeDtypeStruct((N_NODES // 2, 2 * HIDDEN), jnp.float32),
            jax.ShapeDtypeStruct((BATCH_SIZE, 8), jnp.float32),
        ],
        out_specs=[
            pl.BlockSpec(memory_space=pltpu.MemorySpace.HBM),
            pl.BlockSpec(memory_space=pltpu.MemorySpace.VMEM),
        ],
        scratch_shapes=[
            pltpu.VMEM((N_NODES // 2, 2 * HIDDEN), jnp.float32),
            pltpu.SemaphoreType.DMA,
        ],
    )(feat_piece.reshape(N_PIECE // 2, 2 * D_FEAT),
      feat_cell.reshape(N_CELL // 2, 2 * D_FEAT),
      batch_even, batch_odd,
      Wpb, dup(b_piece), dup(g_piece), dup(be_piece),
      Wcb, dup(b_cell), dup(g_cell), dup(be_cell),
      Wc1, r1(bc1), Wc2p, bc2p)

    x_all = x2.reshape(N_NODES, HIDDEN)

    half = N_EDGES // 2
    pair2 = _make_pair(N_EDGES)(x_all, edge_src, edge_dst)

    cols = jnp.arange(16).reshape(2, 8).T.reshape(-1)
    W2i = W2b[:, cols]
    b2i = b2b[:, cols].reshape(16, 1)

    row_spec = pl.BlockSpec((_ROWS, 2 * HIDDEN), lambda i: (i, 0))
    w_spec = lambda s: pl.BlockSpec(s, lambda i: (0, 0))
    logits_t = pl.pallas_call(
        _stage_c_body,
        grid=(half // _ROWS,),
        in_specs=[
            row_spec,
            w_spec((2 * HIDDEN, 2 * HIDDEN)), w_spec((1, 2 * HIDDEN)),
            w_spec((2 * HIDDEN, 16)), w_spec((16, 1)),
        ],
        out_specs=pl.BlockSpec((16, _ROWS), lambda i: (0, i)),
        out_shape=jax.ShapeDtypeStruct((16, half), jnp.float32),
    )(pair2, W1b, b1b, W2i, b2i)

    logits = logits_t.reshape(8, N_EDGES)[:POLICY_DIM, :].T
    return (logits, critic_pad[:, :1])

# --- scband reference (transcript-rebuilt; emitter-appended) ---
"""Pipeline reference for scband-hive-actor-critic-67980742361529 (READ-ONLY COPY).

The authoritative reference and input builder live on the scoring server;
editing this copy changes nothing except your own understanding.
"""

import jax, jax.numpy as jnp
import numpy as np

HIDDEN = 64
POLICY_DIM = 7
D_FEAT = 128
BATCH_SIZE = 64
N_PIECE = 5000
N_CELL = 5000
N_EDGES = 320000


def leaky_relu(x):
    return jnp.where(x >= 0, x, 0.01 * x)


def layer_norm(x, gamma, beta, eps=1e-5):
    mu = jnp.mean(x, axis=-1, keepdims=True)
    var = jnp.var(x, axis=-1, keepdims=True)
    return (x - mu) / jnp.sqrt(var + eps) * gamma + beta


def setup_inputs(seed: int = 0) -> dict:
    key = jax.random.key(seed)
    ks = jax.random.split(key, 24)
    s = 0.05
    inp = {
        "feat_piece": jax.random.normal(ks[0], (N_PIECE, D_FEAT), jnp.float32),
        "feat_cell": jax.random.normal(ks[1], (N_CELL, D_FEAT), jnp.float32),
        "edge_src": jax.random.randint(ks[2], (N_EDGES,), 0, N_PIECE + N_CELL, dtype=jnp.int32),
        "edge_dst": jax.random.randint(ks[3], (N_EDGES,), 0, N_PIECE + N_CELL, dtype=jnp.int32),
        "batch": jnp.sort(jax.random.randint(ks[4], (N_PIECE + N_CELL,), 0, BATCH_SIZE, dtype=jnp.int32)),
        # input encoders (one per node type)
        "W_piece": jax.random.normal(ks[5], (D_FEAT, HIDDEN), jnp.float32) * s,
        "b_piece": jnp.zeros((HIDDEN,), jnp.float32),
        "g_piece": jnp.ones((HIDDEN,), jnp.float32),
        "be_piece": jnp.zeros((HIDDEN,), jnp.float32),
        "W_cell": jax.random.normal(ks[6], (D_FEAT, HIDDEN), jnp.float32) * s,
        "b_cell": jnp.zeros((HIDDEN,), jnp.float32),
        "g_cell": jnp.ones((HIDDEN,), jnp.float32),
        "be_cell": jnp.zeros((HIDDEN,), jnp.float32),
        # policy MLP
        "Wp1": jax.random.normal(ks[7], (HIDDEN, HIDDEN), jnp.float32) * s,
        "bp1": jnp.zeros((HIDDEN,), jnp.float32),
        "Wp2": jax.random.normal(ks[8], (HIDDEN, POLICY_DIM), jnp.float32) * s,
        "bp2": jnp.zeros((POLICY_DIM,), jnp.float32),
        # critic MLP
        "Wc1": jax.random.normal(ks[9], (HIDDEN, HIDDEN // 2), jnp.float32) * s,
        "bc1": jnp.zeros((HIDDEN // 2,), jnp.float32),
        "Wc2": jax.random.normal(ks[10], (HIDDEN // 2, 1), jnp.float32) * s,
        "bc2": jnp.zeros((1,), jnp.float32),
    }
    return inp


def reference(feat_piece, feat_cell, edge_src, edge_dst, batch,
              W_piece, b_piece, g_piece, be_piece,
              W_cell, b_cell, g_cell, be_cell,
              Wp1, bp1, Wp2, bp2, Wc1, bc1, Wc2, bc2):
    # per-node-type input encoder: Linear -> LayerNorm -> LeakyReLU
    h_piece = leaky_relu(layer_norm(feat_piece @ W_piece + b_piece, g_piece, be_piece))
    h_cell = leaky_relu(layer_norm(feat_cell @ W_cell + b_cell, g_cell, be_cell))
    x_all = jnp.concatenate([h_piece, h_cell], axis=0)
    # policy head over all 'current_move' edges (vectorized version of the per-edge loop)
    src_feat = jnp.take(x_all, edge_src, axis=0)
    dst_feat = jnp.take(x_all, edge_dst, axis=0)
    pair = src_feat * dst_feat
    policy_logits = leaky_relu(pair @ Wp1 + bp1) @ Wp2 + bp2
    # critic: scatter_mean over graphs in the batch
    seg_sum = jax.ops.segment_sum(x_all, batch, num_segments=BATCH_SIZE)
    cnt = jax.ops.segment_sum(jnp.ones((x_all.shape[0], 1), jnp.float32), batch, num_segments=BATCH_SIZE)
    pooled = seg_sum / jnp.maximum(cnt, 1.0)
    critic = leaky_relu(pooled @ Wc1 + bc1) @ Wc2 + bc2
    return (policy_logits, critic)

if __name__ == "__main__":
    import jax
    _d = setup_inputs()
    print(jax.jit(kernel)(*tuple(_d.values())))

</pallas_src>

<mosaic_0001>
#map = affine_map<(d0, d1) -> (0, 0)>
#map1 = affine_map<(d0, d1) -> (0)>
module attributes {stable_mosaic.version = 14 : i64} {
  func.func @_pair_body(%arg0: i32, %arg1: i32, %arg2: memref<10000x64xf32, #tpu.memory_space<hbm>>, %arg3: memref<320000xi32, #tpu.memory_space<hbm>>, %arg4: memref<320000xi32, #tpu.memory_space<hbm>>, %arg5: memref<160000x128xf32, #tpu.memory_space<hbm>>, %arg6: memref<1000xi32, #tpu.memory_space<vmem>>, %arg7: memref<1000xi32, #tpu.memory_space<vmem>>, %arg8: memref<1000x64xf32, #tpu.memory_space<vmem>>, %arg9: memref<1000x64xf32, #tpu.memory_space<vmem>>, %arg10: memref<!tpu.dma_semaphore, #tpu.memory_space<semaphore_mem>>) attributes {dimension_semantics = [#tpu.dimension_semantics<core_parallel>, #tpu.dimension_semantics<subcore_parallel>], iteration_bounds = array<i64: 2, 16>, scalar_prefetch = 0 : i64, scratch_operands = 5 : i64, tpu.core_type = #tpu.core_type<sc_vector_subcore>, window_params = [{transform_indices = #map}, {transform_indices = #map1}, {transform_indices = #map1}, {transform_indices = #map}]} {
    %mul3A = arith.constant 2 : i32
    %mul3A_0 = arith.muli %arg1, %mul3A : i32
    %add3A = arith.addi %mul3A_0, %arg0 : i32
    %mul3A_1 = arith.constant 5000 : i32
    %mul3A_2 = arith.muli %add3A, %mul3A_1 : i32
    %scan3A = arith.constant 0 : i32
    %scan3A_3 = arith.constant 0 : i32
    %scan3A_4 = arith.constant 5 : i32
    %scan3A_5 = arith.addi %scan3A_3, %scan3A_4 : i32
    %scan3A_6 = arith.constant 1 : i32
    scf.for %scan3A_8 = %scan3A_3 to %scan3A_5 step %scan3A_6  : i32 {
      %mul3A_9 = arith.constant 1000 : i32
      %mul3A_10 = arith.muli %scan3A_8, %mul3A_9 : i32
      %add3A_11 = arith.addi %mul3A_2, %mul3A_10 : i32
      "tpu.region"() ({
        %run_scoped3A = tpu.sem_alloc : memref<!tpu.dma_semaphore, #tpu.memory_space<semaphore_mem>>
        %dma_start3A_48 = tpu.memref_slice %arg3[%add3A_11] : memref<320000xi32, #tpu.memory_space<hbm>> -> memref<1000xi32, #tpu.memory_space<hbm>>
        %dma_start3A_49 = tpu.memref_slice %arg3[%add3A_11] : memref<320000xi32, #tpu.memory_space<hbm>> -> memref<1000xi32, #tpu.memory_space<hbm>>
        tpu.enqueue_dma source(%dma_start3A_49 : memref<1000xi32, #tpu.memory_space<hbm>>) target(%arg6 : memref<1000xi32, #tpu.memory_space<vmem>>) target_semaphore(%run_scoped3A : memref<!tpu.dma_semaphore, #tpu.memory_space<semaphore_mem>>)
        %dma_wait3A_50 = tpu.memref_slice %arg3[%add3A_11] : memref<320000xi32, #tpu.memory_space<hbm>> -> memref<1000xi32, #tpu.memory_space<hbm>>
        %dma_wait3A_51 = tpu.memref_slice %arg3[%add3A_11] : memref<320000xi32, #tpu.memory_space<hbm>> -> memref<1000xi32, #tpu.memory_space<hbm>>
        tpu.wait_dma2 semaphore(%run_scoped3A : memref<!tpu.dma_semaphore, #tpu.memory_space<semaphore_mem>>) src(%dma_wait3A_51 : memref<1000xi32, #tpu.memory_space<hbm>>) dst(%arg6 : memref<1000xi32, #tpu.memory_space<vmem>>)
        tpu.yield
      }) : () -> ()
      "tpu.region"() ({
        %run_scoped3A = tpu.sem_alloc : memref<!tpu.dma_semaphore, #tpu.memory_space<semaphore_mem>>
        %dma_start3A_48 = tpu.memref_slice %arg4[%add3A_11] : memref<320000xi32, #tpu.memory_space<hbm>> -> memref<1000xi32, #tpu.memory_space<hbm>>
        %dma_start3A_49 = tpu.memref_slice %arg4[%add3A_11] : memref<320000xi32, #tpu.memory_space<hbm>> -> memref<1000xi32, #tpu.memory_space<hbm>>
        tpu.enqueue_dma source(%dma_start3A_49 : memref<1000xi32, #tpu.memory_space<hbm>>) target(%arg7 : memref<1000xi32, #tpu.memory_space<vmem>>) target_semaphore(%run_scoped3A : memref<!tpu.dma_semaphore, #tpu.memory_space<semaphore_mem>>)
        %dma_wait3A_50 = tpu.memref_slice %arg4[%add3A_11] : memref<320000xi32, #tpu.memory_space<hbm>> -> memref<1000xi32, #tpu.memory_space<hbm>>
        %dma_wait3A_51 = tpu.memref_slice %arg4[%add3A_11] : memref<320000xi32, #tpu.memory_space<hbm>> -> memref<1000xi32, #tpu.memory_space<hbm>>
        tpu.wait_dma2 semaphore(%run_scoped3A : memref<!tpu.dma_semaphore, #tpu.memory_space<semaphore_mem>>) src(%dma_wait3A_51 : memref<1000xi32, #tpu.memory_space<hbm>>) dst(%arg7 : memref<1000xi32, #tpu.memory_space<vmem>>)
        tpu.yield
      }) : () -> ()
      %dma_start3A = arith.constant 0 : i32
      %dma_start3A_12 = arith.constant 0 : i32
      %dma_start3A_13 = tpu.memref_slice %arg2[%dma_start3A, %dma_start3A_12] : memref<10000x64xf32, #tpu.memory_space<hbm>> -> memref<10000x64xf32, #tpu.memory_space<hbm>>
      tpu.enqueue_indirect_dma source(%dma_start3A_13 : memref<10000x64xf32, #tpu.memory_space<hbm>>) target(%arg8 : memref<1000x64xf32, #tpu.memory_space<vmem>>) offsets(%arg6 : memref<1000xi32, #tpu.memory_space<vmem>>) semaphore(%arg10 : memref<!tpu.dma_semaphore, #tpu.memory_space<semaphore_mem>>)
      %dma_start3A_14 = arith.constant 0 : i32
      %dma_start3A_15 = arith.constant 0 : i32
      %dma_start3A_16 = tpu.memref_slice %arg2[%dma_start3A_14, %dma_start3A_15] : memref<10000x64xf32, #tpu.memory_space<hbm>> -> memref<10000x64xf32, #tpu.memory_space<hbm>>
      tpu.enqueue_indirect_dma source(%dma_start3A_16 : memref<10000x64xf32, #tpu.memory_space<hbm>>) target(%arg9 : memref<1000x64xf32, #tpu.memory_space<vmem>>) offsets(%arg7 : memref<1000xi32, #tpu.memory_space<vmem>>) semaphore(%arg10 : memref<!tpu.dma_semaphore, #tpu.memory_space<semaphore_mem>>)
      %dma_wait3A = arith.constant 0 : i32
      %dma_wait3A_17 = arith.constant 0 : i32
      %dma_wait3A_18 = tpu.memref_slice %arg2[%dma_wait3A, %dma_wait3A_17] : memref<10000x64xf32, #tpu.memory_space<hbm>> -> memref<10000x64xf32, #tpu.memory_space<hbm>>
      tpu.wait_indirect_dma semaphore(%arg10 : memref<!tpu.dma_semaphore, #tpu.memory_space<semaphore_mem>>) src(%dma_wait3A_18 : memref<10000x64xf32, #tpu.memory_space<hbm>>) dst(%arg8 : memref<1000x64xf32, #tpu.memory_space<vmem>>)
      %dma_wait3A_19 = arith.constant 0 : i32
      %dma_wait3A_20 = arith.constant 0 : i32
      %dma_wait3A_21 = tpu.memref_slice %arg2[%dma_wait3A_19, %dma_wait3A_20] : memref<10000x64xf32, #tpu.memory_space<hbm>> -> memref<10000x64xf32, #tpu.memory_space<hbm>>
      tpu.wait_indirect_dma semaphore(%arg10 : memref<!tpu.dma_semaphore, #tpu.memory_space<semaphore_mem>>) src(%dma_wait3A_21 : memref<10000x64xf32, #tpu.memory_space<hbm>>) dst(%arg9 : memref<1000x64xf32, #tpu.memory_space<vmem>>)
      %scan3A_22 = arith.constant 0 : i32
      %scan3A_23 = arith.constant 0 : i32
      %scan3A_24 = arith.constant 1000 : i32
      %scan3A_25 = arith.addi %scan3A_23, %scan3A_24 : i32
      %scan3A_26 = arith.constant 1 : i32
      scf.for %scan3A_48 = %scan3A_23 to %scan3A_25 step %scan3A_26  : i32 {
        %get3A = arith.index_cast %scan3A_48 : i32 to index
        %get3A_49 = arith.constant 0 : index
        %get3A_50 = tpu.vector_load %arg8[%get3A, %get3A_49] {strides = array<i32>} : memref<1000x64xf32, #tpu.memory_space<vmem>>, vector<1x16xf32>,
        %get3A_51 = vector.shape_cast %get3A_50 : vector<1x16xf32> to vector<16xf32>
        %get3A_52 = arith.index_cast %scan3A_48 : i32 to index
        %get3A_53 = arith.constant 0 : index
        %get3A_54 = tpu.vector_load %arg9[%get3A_52, %get3A_53] {strides = array<i32>} : memref<1000x64xf32, #tpu.memory_space<vmem>>, vector<1x16xf32>,
        %get3A_55 = vector.shape_cast %get3A_54 : vector<1x16xf32> to vector<16xf32>
        %mul3A_56 = arith.mulf %get3A_51, %get3A_55 : vector<16xf32>
        %swap3A = arith.index_cast %scan3A_48 : i32 to index
        %swap3A_57 = arith.constant 0 : index
        %swap3A_58 = tpu.vector_load %arg8[%swap3A, %swap3A_57] {strides = array<i32>} : memref<1000x64xf32, #tpu.memory_space<vmem>>, vector<1x16xf32>,
        %swap3A_59 = vector.shape_cast %swap3A_58 : vector<1x16xf32> to vector<16xf32>
        %swap3A_60 = vector.shape_cast %mul3A_56 : vector<16xf32> to vector<1x16xf32>
        tpu.vector_store %arg8[%swap3A, %swap3A_57], %swap3A_60 {strides = array<i32>} : memref<1000x64xf32, #tpu.memory_space<vmem>>, vector<1x16xf32>,
        %get3A_61 = arith.index_cast %scan3A_48 : i32 to index
        %get3A_62 = arith.constant 16 : index
        %get3A_63 = tpu.vector_load %arg8[%get3A_61, %get3A_62] {strides = array<i32>} : memref<1000x64xf32, #tpu.memory_space<vmem>>, vector<1x16xf32>,
        %get3A_64 = vector.shape_cast %get3A_63 : vector<1x16xf32> to vector<16xf32>
        %get3A_65 = arith.index_cast %scan3A_48 : i32 to index
        %get3A_66 = arith.constant 16 : index
        %get3A_67 = tpu.vector_load %arg9[%get3A_65, %get3A_66] {strides = array<i32>} : memref<1000x64xf32, #tpu.memory_space<vmem>>, vector<1x16xf32>,
        %get3A_68 = vector.shape_cast %get3A_67 : vector<1x16xf32> to vector<16xf32>
        %mul3A_69 = arith.mulf %get3A_64, %get3A_68 : vector<16xf32>
        %swap3A_70 = arith.index_cast %scan3A_48 : i32 to index
        %swap3A_71 = arith.constant 16 : index
        %swap3A_72 = tpu.vector_load %arg8[%swap3A_70, %swap3A_71] {strides = array<i32>} : memref<1000x64xf32, #tpu.memory_space<vmem>>, vector<1x16xf32>,
        %swap3A_73 = vector.shape_cast %swap3A_72 : vector<1x16xf32> to vector<16xf32>
        %swap3A_74 = vector.shape_cast %mul3A_69 : vector<16xf32> to vector<1x16xf32>
        tpu.vector_store %arg8[%swap3A_70, %swap3A_71], %swap3A_74 {strides = array<i32>} : memref<1000x64xf32, #tpu.memory_space<vmem>>, vector<1x16xf32>,
        %get3A_75 = arith.index_cast %scan3A_48 : i32 to index
        %get3A_76 = arith.constant 32 : index
        %get3A_77 = tpu.vector_load %arg8[%get3A_75, %get3A_76] {strides = array<i32>} : memref<1000x64xf32, #tpu.memory_space<vmem>>, vector<1x16xf32>,
        %get3A_78 = vector.shape_cast %get3A_77 : vector<1x16xf32> to vector<16xf32>
        %get3A_79 = arith.index_cast %scan3A_48 : i32 to index
        %get3A_80 = arith.constant 32 : index
        %get3A_81 = tpu.vector_load %arg9[%get3A_79, %get3A_80] {strides = array<i32>} : memref<1000x64xf32, #tpu.memory_space<vmem>>, vector<1x16xf32>,
        %get3A_82 = vector.shape_cast %get3A_81 : vector<1x16xf32> to vector<16xf32>
        %mul3A_83 = arith.mulf %get3A_78, %get3A_82 : vector<16xf32>
        %swap3A_84 = arith.index_cast %scan3A_48 : i32 to index
        %swap3A_85 = arith.constant 32 : index
        %swap3A_86 = tpu.vector_load %arg8[%swap3A_84, %swap3A_85] {strides = array<i32>} : memref<1000x64xf32, #tpu.memory_space<vmem>>, vector<1x16xf32>,
        %swap3A_87 = vector.shape_cast %swap3A_86 : vector<1x16xf32> to vector<16xf32>
        %swap3A_88 = vector.shape_cast %mul3A_83 : vector<16xf32> to vector<1x16xf32>
        tpu.vector_store %arg8[%swap3A_84, %swap3A_85], %swap3A_88 {strides = array<i32>} : memref<1000x64xf32, #tpu.memory_space<vmem>>, vector<1x16xf32>,
        %get3A_89 = arith.index_cast %scan3A_48 : i32 to index
        %get3A_90 = arith.constant 48 : index
        %get3A_91 = tpu.vector_load %arg8[%get3A_89, %get3A_90] {strides = array<i32>} : memref<1000x64xf32, #tpu.memory_space<vmem>>, vector<1x16xf32>,
        %get3A_92 = vector.shape_cast %get3A_91 : vector<1x16xf32> to vector<16xf32>
        %get3A_93 = arith.index_cast %scan3A_48 : i32 to index
        %get3A_94 = arith.constant 48 : index
        %get3A_95 = tpu.vector_load %arg9[%get3A_93, %get3A_94] {strides = array<i32>} : memref<1000x64xf32, #tpu.memory_space<vmem>>, vector<1x16xf32>,
        %get3A_96 = vector.shape_cast %get3A_95 : vector<1x16xf32> to vector<16xf32>
        %mul3A_97 = arith.mulf %get3A_92, %get3A_96 : vector<16xf32>
        %swap3A_98 = arith.index_cast %scan3A_48 : i32 to index
        %swap3A_99 = arith.constant 48 : index
        %swap3A_100 = tpu.vector_load %arg8[%swap3A_98, %swap3A_99] {strides = array<i32>} : memref<1000x64xf32, #tpu.memory_space<vmem>>, vector<1x16xf32>,
        %swap3A_101 = vector.shape_cast %swap3A_100 : vector<1x16xf32> to vector<16xf32>
        %swap3A_102 = vector.shape_cast %mul3A_97 : vector<16xf32> to vector<1x16xf32>
        tpu.vector_store %arg8[%swap3A_98, %swap3A_99], %swap3A_102 {strides = array<i32>} : memref<1000x64xf32, #tpu.memory_space<vmem>>, vector<1x16xf32>,
      }
      %scan3A_27 = arith.constant 1000 : i32
      "tpu.region"() ({
        %run_scoped3A = tpu.sem_alloc : memref<!tpu.dma_semaphore, #tpu.memory_space<semaphore_mem>>
        %dma_start3A_48 = arith.constant 0 : i32
        %dma_start3A_49 = tpu.memref_slice %arg5[%add3A_11, %dma_start3A_48] : memref<160000x128xf32, #tpu.memory_space<hbm>> -> memref<1000x64xf32, #tpu.memory_space<hbm>>
        %dma_start3A_50 = arith.constant 0 : i32
        %dma_start3A_51 = tpu.memref_slice %arg5[%add3A_11, %dma_start3A_50] : memref<160000x128xf32, #tpu.memory_space<hbm>> -> memref<1000x64xf32, #tpu.memory_space<hbm>>
        tpu.enqueue_dma source(%arg8 : memref<1000x64xf32, #tpu.memory_space<vmem>>) target(%dma_start3A_51 : memref<1000x64xf32, #tpu.memory_space<hbm>>) target_semaphore(%run_scoped3A : memref<!tpu.dma_semaphore, #tpu.memory_space<semaphore_mem>>)
        %dma_wait3A_52 = arith.constant 0 : i32
        %dma_wait3A_53 = tpu.memref_slice %arg5[%add3A_11, %dma_wait3A_52] : memref<160000x128xf32, #tpu.memory_space<hbm>> -> memref<1000x64xf32, #tpu.memory_space<hbm>>
        %dma_wait3A_54 = arith.constant 0 : i32
        %dma_wait3A_55 = tpu.memref_slice %arg5[%add3A_11, %dma_wait3A_54] : memref<160000x128xf32, #tpu.memory_space<hbm>> -> memref<1000x64xf32, #tpu.memory_space<hbm>>
        tpu.wait_dma2 semaphore(%run_scoped3A : memref<!tpu.dma_semaphore, #tpu.memory_space<semaphore_mem>>) src(%arg8 : memref<1000x64xf32, #tpu.memory_space<vmem>>) dst(%dma_wait3A_55 : memref<1000x64xf32, #tpu.memory_space<hbm>>)
        tpu.yield
      }) : () -> ()
      %add3A_28 = arith.constant 160000 : i32
      %add3A_29 = arith.addi %add3A_28, %add3A_11 : i32
      "tpu.region"() ({
        %run_scoped3A = tpu.sem_alloc : memref<!tpu.dma_semaphore, #tpu.memory_space<semaphore_mem>>
        %dma_start3A_48 = tpu.memref_slice %arg3[%add3A_29] : memref<320000xi32, #tpu.memory_space<hbm>> -> memref<1000xi32, #tpu.memory_space<hbm>>
        %dma_start3A_49 = tpu.memref_slice %arg3[%add3A_29] : memref<320000xi32, #tpu.memory_space<hbm>> -> memref<1000xi32, #tpu.memory_space<hbm>>
        tpu.enqueue_dma source(%dma_start3A_49 : memref<1000xi32, #tpu.memory_space<hbm>>) target(%arg6 : memref<1000xi32, #tpu.memory_space<vmem>>) target_semaphore(%run_scoped3A : memref<!tpu.dma_semaphore, #tpu.memory_space<semaphore_mem>>)
        %dma_wait3A_50 = tpu.memref_slice %arg3[%add3A_29] : memref<320000xi32, #tpu.memory_space<hbm>> -> memref<1000xi32, #tpu.memory_space<hbm>>
        %dma_wait3A_51 = tpu.memref_slice %arg3[%add3A_29] : memref<320000xi32, #tpu.memory_space<hbm>> -> memref<1000xi32, #tpu.memory_space<hbm>>
        tpu.wait_dma2 semaphore(%run_scoped3A : memref<!tpu.dma_semaphore, #tpu.memory_space<semaphore_mem>>) src(%dma_wait3A_51 : memref<1000xi32, #tpu.memory_space<hbm>>) dst(%arg6 : memref<1000xi32, #tpu.memory_space<vmem>>)
        tpu.yield
      }) : () -> ()
      "tpu.region"() ({
        %run_scoped3A = tpu.sem_alloc : memref<!tpu.dma_semaphore, #tpu.memory_space<semaphore_mem>>
        %dma_start3A_48 = tpu.memref_slice %arg4[%add3A_29] : memref<320000xi32, #tpu.memory_space<hbm>> -> memref<1000xi32, #tpu.memory_space<hbm>>
        %dma_start3A_49 = tpu.memref_slice %arg4[%add3A_29] : memref<320000xi32, #tpu.memory_space<hbm>> -> memref<1000xi32, #tpu.memory_space<hbm>>
        tpu.enqueue_dma source(%dma_start3A_49 : memref<1000xi32, #tpu.memory_space<hbm>>) target(%arg7 : memref<1000xi32, #tpu.memory_space<vmem>>) target_semaphore(%run_scoped3A : memref<!tpu.dma_semaphore, #tpu.memory_space<semaphore_mem>>)
        %dma_wait3A_50 = tpu.memref_slice %arg4[%add3A_29] : memref<320000xi32, #tpu.memory_space<hbm>> -> memref<1000xi32, #tpu.memory_space<hbm>>
        %dma_wait3A_51 = tpu.memref_slice %arg4[%add3A_29] : memref<320000xi32, #tpu.memory_space<hbm>> -> memref<1000xi32, #tpu.memory_space<hbm>>
        tpu.wait_dma2 semaphore(%run_scoped3A : memref<!tpu.dma_semaphore, #tpu.memory_space<semaphore_mem>>) src(%dma_wait3A_51 : memref<1000xi32, #tpu.memory_space<hbm>>) dst(%arg7 : memref<1000xi32, #tpu.memory_space<vmem>>)
        tpu.yield
      }) : () -> ()
      %dma_start3A_30 = arith.constant 0 : i32
      %dma_start3A_31 = arith.constant 0 : i32
      %dma_start3A_32 = tpu.memref_slice %arg2[%dma_start3A_30, %dma_start3A_31] : memref<10000x64xf32, #tpu.memory_space<hbm>> -> memref<10000x64xf32, #tpu.memory_space<hbm>>
      tpu.enqueue_indirect_dma source(%dma_start3A_32 : memref<10000x64xf32, #tpu.memory_space<hbm>>) target(%arg8 : memref<1000x64xf32, #tpu.memory_space<vmem>>) offsets(%arg6 : memref<1000xi32, #tpu.memory_space<vmem>>) semaphore(%arg10 : memref<!tpu.dma_semaphore, #tpu.memory_space<semaphore_mem>>)
      %dma_start3A_33 = arith.constant 0 : i32
      %dma_start3A_34 = arith.constant 0 : i32
      %dma_start3A_35 = tpu.memref_slice %arg2[%dma_start3A_33, %dma_start3A_34] : memref<10000x64xf32, #tpu.memory_space<hbm>> -> memref<10000x64xf32, #tpu.memory_space<hbm>>
      tpu.enqueue_indirect_dma source(%dma_start3A_35 : memref<10000x64xf32, #tpu.memory_space<hbm>>) target(%arg9 : memref<1000x64xf32, #tpu.memory_space<vmem>>) offsets(%arg7 : memref<1000xi32, #tpu.memory_space<vmem>>) semaphore(%arg10 : memref<!tpu.dma_semaphore, #tpu.memory_space<semaphore_mem>>)
      %dma_wait3A_36 = arith.constant 0 : i32
      %dma_wait3A_37 = arith.constant 0 : i32
      %dma_wait3A_38 = tpu.memref_slice %arg2[%dma_wait3A_36, %dma_wait3A_37] : memref<10000x64xf32, #tpu.memory_space<hbm>> -> memref<10000x64xf32, #tpu.memory_space<hbm>>
      tpu.wait_indirect_dma semaphore(%arg10 : memref<!tpu.dma_semaphore, #tpu.memory_space<semaphore_mem>>) src(%dma_wait3A_38 : memref<10000x64xf32, #tpu.memory_space<hbm>>) dst(%arg8 : memref<1000x64xf32, #tpu.memory_space<vmem>>)
      %dma_wait3A_39 = arith.constant 0 : i32
      %dma_wait3A_40 = arith.constant 0 : i32
      %dma_wait3A_41 = tpu.memref_slice %arg2[%dma_wait3A_39, %dma_wait3A_40] : memref<10000x64xf32, #tpu.memory_space<hbm>> -> memref<10000x64xf32, #tpu.memory_space<hbm>>
      tpu.wait_indirect_dma semaphore(%arg10 : memref<!tpu.dma_semaphore, #tpu.memory_space<semaphore_mem>>) src(%dma_wait3A_41 : memref<10000x64xf32, #tpu.memory_space<hbm>>) dst(%arg9 : memref<1000x64xf32, #tpu.memory_space<vmem>>)
      %scan3A_42 = arith.constant 0 : i32
      %scan3A_43 = arith.constant 0 : i32
      %scan3A_44 = arith.constant 1000 : i32
      %scan3A_45 = arith.addi %scan3A_43, %scan3A_44 : i32
      %scan3A_46 = arith.constant 1 : i32
      scf.for %scan3A_48 = %scan3A_43 to %scan3A_45 step %scan3A_46  : i32 {
        %get3A = arith.index_cast %scan3A_48 : i32 to index
        %get3A_49 = arith.constant 0 : index
        %get3A_50 = tpu.vector_load %arg8[%get3A, %get3A_49] {strides = array<i32>} : memref<1000x64xf32, #tpu.memory_space<vmem>>, vector<1x16xf32>,
        %get3A_51 = vector.shape_cast %get3A_50 : vector<1x16xf32> to vector<16xf32>
        %get3A_52 = arith.index_cast %scan3A_48 : i32 to index
        %get3A_53 = arith.constant 0 : index
        %get3A_54 = tpu.vector_load %arg9[%get3A_52, %get3A_53] {strides = array<i32>} : memref<1000x64xf32, #tpu.memory_space<vmem>>, vector<1x16xf32>,
        %get3A_55 = vector.shape_cast %get3A_54 : vector<1x16xf32> to vector<16xf32>
        %mul3A_56 = arith.mulf %get3A_51, %get3A_55 : vector<16xf32>
        %swap3A = arith.index_cast %scan3A_48 : i32 to index
        %swap3A_57 = arith.constant 0 : index
        %swap3A_58 = tpu.vector_load %arg8[%swap3A, %swap3A_57] {strides = array<i32>} : memref<1000x64xf32, #tpu.memory_space<vmem>>, vector<1x16xf32>,
        %swap3A_59 = vector.shape_cast %swap3A_58 : vector<1x16xf32> to vector<16xf32>
        %swap3A_60 = vector.shape_cast %mul3A_56 : vector<16xf32> to vector<1x16xf32>
        tpu.vector_store %arg8[%swap3A, %swap3A_57], %swap3A_60 {strides = array<i32>} : memref<1000x64xf32, #tpu.memory_space<vmem>>, vector<1x16xf32>,
        %get3A_61 = arith.index_cast %scan3A_48 : i32 to index
        %get3A_62 = arith.constant 16 : index
        %get3A_63 = tpu.vector_load %arg8[%get3A_61, %get3A_62] {strides = array<i32>} : memref<1000x64xf32, #tpu.memory_space<vmem>>, vector<1x16xf32>,
        %get3A_64 = vector.shape_cast %get3A_63 : vector<1x16xf32> to vector<16xf32>
        %get3A_65 = arith.index_cast %scan3A_48 : i32 to index
        %get3A_66 = arith.constant 16 : index
        %get3A_67 = tpu.vector_load %arg9[%get3A_65, %get3A_66] {strides = array<i32>} : memref<1000x64xf32, #tpu.memory_space<vmem>>, vector<1x16xf32>,
        %get3A_68 = vector.shape_cast %get3A_67 : vector<1x16xf32> to vector<16xf32>
        %mul3A_69 = arith.mulf %get3A_64, %get3A_68 : vector<16xf32>
        %swap3A_70 = arith.index_cast %scan3A_48 : i32 to index
        %swap3A_71 = arith.constant 16 : index
        %swap3A_72 = tpu.vector_load %arg8[%swap3A_70, %swap3A_71] {strides = array<i32>} : memref<1000x64xf32, #tpu.memory_space<vmem>>, vector<1x16xf32>,
        %swap3A_73 = vector.shape_cast %swap3A_72 : vector<1x16xf32> to vector<16xf32>
        %swap3A_74 = vector.shape_cast %mul3A_69 : vector<16xf32> to vector<1x16xf32>
        tpu.vector_store %arg8[%swap3A_70, %swap3A_71], %swap3A_74 {strides = array<i32>} : memref<1000x64xf32, #tpu.memory_space<vmem>>, vector<1x16xf32>,
        %get3A_75 = arith.index_cast %scan3A_48 : i32 to index
        %get3A_76 = arith.constant 32 : index
        %get3A_77 = tpu.vector_load %arg8[%get3A_75, %get3A_76] {strides = array<i32>} : memref<1000x64xf32, #tpu.memory_space<vmem>>, vector<1x16xf32>,
        %get3A_78 = vector.shape_cast %get3A_77 : vector<1x16xf32> to vector<16xf32>
        %get3A_79 = arith.index_cast %scan3A_48 : i32 to index
        %get3A_80 = arith.constant 32 : index
        %get3A_81 = tpu.vector_load %arg9[%get3A_79, %get3A_80] {strides = array<i32>} : memref<1000x64xf32, #tpu.memory_space<vmem>>, vector<1x16xf32>,
        %get3A_82 = vector.shape_cast %get3A_81 : vector<1x16xf32> to vector<16xf32>
        %mul3A_83 = arith.mulf %get3A_78, %get3A_82 : vector<16xf32>
        %swap3A_84 = arith.index_cast %scan3A_48 : i32 to index
        %swap3A_85 = arith.constant 32 : index
        %swap3A_86 = tpu.vector_load %arg8[%swap3A_84, %swap3A_85] {strides = array<i32>} : memref<1000x64xf32, #tpu.memory_space<vmem>>, vector<1x16xf32>,
        %swap3A_87 = vector.shape_cast %swap3A_86 : vector<1x16xf32> to vector<16xf32>
        %swap3A_88 = vector.shape_cast %mul3A_83 : vector<16xf32> to vector<1x16xf32>
        tpu.vector_store %arg8[%swap3A_84, %swap3A_85], %swap3A_88 {strides = array<i32>} : memref<1000x64xf32, #tpu.memory_space<vmem>>, vector<1x16xf32>,
        %get3A_89 = arith.index_cast %scan3A_48 : i32 to index
        %get3A_90 = arith.constant 48 : index
        %get3A_91 = tpu.vector_load %arg8[%get3A_89, %get3A_90] {strides = array<i32>} : memref<1000x64xf32, #tpu.memory_space<vmem>>, vector<1x16xf32>,
        %get3A_92 = vector.shape_cast %get3A_91 : vector<1x16xf32> to vector<16xf32>
        %get3A_93 = arith.index_cast %scan3A_48 : i32 to index
        %get3A_94 = arith.constant 48 : index
        %get3A_95 = tpu.vector_load %arg9[%get3A_93, %get3A_94] {strides = array<i32>} : memref<1000x64xf32, #tpu.memory_space<vmem>>, vector<1x16xf32>,
        %get3A_96 = vector.shape_cast %get3A_95 : vector<1x16xf32> to vector<16xf32>
        %mul3A_97 = arith.mulf %get3A_92, %get3A_96 : vector<16xf32>
        %swap3A_98 = arith.index_cast %scan3A_48 : i32 to index
        %swap3A_99 = arith.constant 48 : index
        %swap3A_100 = tpu.vector_load %arg8[%swap3A_98, %swap3A_99] {strides = array<i32>} : memref<1000x64xf32, #tpu.memory_space<vmem>>, vector<1x16xf32>,
        %swap3A_101 = vector.shape_cast %swap3A_100 : vector<1x16xf32> to vector<16xf32>
        %swap3A_102 = vector.shape_cast %mul3A_97 : vector<16xf32> to vector<1x16xf32>
        tpu.vector_store %arg8[%swap3A_98, %swap3A_99], %swap3A_102 {strides = array<i32>} : memref<1000x64xf32, #tpu.memory_space<vmem>>, vector<1x16xf32>,
      }
      %scan3A_47 = arith.constant 1000 : i32
      "tpu.region"() ({
        %run_scoped3A = tpu.sem_alloc : memref<!tpu.dma_semaphore, #tpu.memory_space<semaphore_mem>>
        %dma_start3A_48 = arith.constant 64 : i32
        %dma_start3A_49 = tpu.memref_slice %arg5[%add3A_11, %dma_start3A_48] : memref<160000x128xf32, #tpu.memory_space<hbm>> -> memref<1000x64xf32, #tpu.memory_space<hbm>>
        %dma_start3A_50 = arith.constant 64 : i32
        %dma_start3A_51 = tpu.memref_slice %arg5[%add3A_11, %dma_start3A_50] : memref<160000x128xf32, #tpu.memory_space<hbm>> -> memref<1000x64xf32, #tpu.memory_space<hbm>>
        tpu.enqueue_dma source(%arg8 : memref<1000x64xf32, #tpu.memory_space<vmem>>) target(%dma_start3A_51 : memref<1000x64xf32, #tpu.memory_space<hbm>>) target_semaphore(%run_scoped3A : memref<!tpu.dma_semaphore, #tpu.memory_space<semaphore_mem>>)
        %dma_wait3A_52 = arith.constant 64 : i32
        %dma_wait3A_53 = tpu.memref_slice %arg5[%add3A_11, %dma_wait3A_52] : memref<160000x128xf32, #tpu.memory_space<hbm>> -> memref<1000x64xf32, #tpu.memory_space<hbm>>
        %dma_wait3A_54 = arith.constant 64 : i32
        %dma_wait3A_55 = tpu.memref_slice %arg5[%add3A_11, %dma_wait3A_54] : memref<160000x128xf32, #tpu.memory_space<hbm>> -> memref<1000x64xf32, #tpu.memory_space<hbm>>
        tpu.wait_dma2 semaphore(%run_scoped3A : memref<!tpu.dma_semaphore, #tpu.memory_space<semaphore_mem>>) src(%arg8 : memref<1000x64xf32, #tpu.memory_space<vmem>>) dst(%dma_wait3A_55 : memref<1000x64xf32, #tpu.memory_space<hbm>>)
        tpu.yield
      }) : () -> ()
    }
    %scan3A_7 = arith.constant 5 : i32
    return
  }
}

module attributes {stable_mosaic.version = 14 : i64} {
  func.func @_stage_a_body(%arg0: memref<2500x256xf32, #tpu.memory_space<vmem>>, %arg1: memref<2500x256xf32, #tpu.memory_space<vmem>>, %arg2: memref<1x5000xi32, #tpu.memory_space<vmem>>, %arg3: memref<1x5000xi32, #tpu.memory_space<vmem>>, %arg4: memref<256x128xf32, #tpu.memory_space<vmem>>, %arg5: memref<1x128xf32, #tpu.memory_space<vmem>>, %arg6: memref<1x128xf32, #tpu.memory_space<vmem>>, %arg7: memref<1x128xf32, #tpu.memory_space<vmem>>, %arg8: memref<256x128xf32, #tpu.memory_space<vmem>>, %arg9: memref<1x128xf32, #tpu.memory_space<vmem>>, %arg10: memref<1x128xf32, #tpu.memory_space<vmem>>, %arg11: memref<1x128xf32, #tpu.memory_space<vmem>>, %arg12: memref<64x32xf32, #tpu.memory_space<vmem>>, %arg13: memref<1x32xf32, #tpu.memory_space<vmem>>, %arg14: memref<32x8xf32, #tpu.memory_space<vmem>>, %arg15: memref<1x8xf32, #tpu.memory_space<vmem>>, %arg16: memref<5000x128xf32, #tpu.memory_space<hbm>>, %arg17: memref<64x8xf32, #tpu.memory_space<vmem>>, %arg18: memref<5000x128xf32, #tpu.memory_space<vmem>>, %arg19: memref<!tpu.dma_semaphore, #tpu.memory_space<semaphore_mem>>) attributes {dimension_semantics = [], scalar_prefetch = 0 : i64, scratch_operands = 2 : i64, tpu.core_type = #tpu.core_type<tc>} {
    %get3A = arith.constant 0 : index
    %get3A_0 = arith.constant 0 : index
    %get3A_1 = vector.load %arg0[%get3A, %get3A_0] : memref<2500x256xf32, #tpu.memory_space<vmem>>, vector<2500x256xf32>
    %get3A_2 = arith.constant 0 : index
    %get3A_3 = arith.constant 0 : index
    %get3A_4 = vector.load %arg4[%get3A_2, %get3A_3] : memref<256x128xf32, #tpu.memory_space<vmem>>, vector<256x128xf32>
    %dot_general3A = arith.constant dense<0.000000e+00> : vector<2500x128xf32>
    %dot_general3A_5 = tpu.matmul %get3A_1, %get3A_4, %dot_general3A {dimension_numbers = #tpu.dot_dimension_numbers<[1], [0], [0], [1], [0, 0, 1, 1], [], []>, transpose_lhs_hint = false} : vector<2500x256xf32>, vector<256x128xf32>, vector<2500x128xf32> -> vector<2500x128xf32>
    %get3A_6 = arith.constant 0 : index
    %get3A_7 = arith.constant 0 : index
    %get3A_8 = vector.load %arg5[%get3A_6, %get3A_7] : memref<1x128xf32, #tpu.memory_space<vmem>>, vector<1x128xf32>
    %add3A = vector.broadcast %get3A_8 : vector<1x128xf32> to vector<2500x128xf32>
    %add3A_9 = arith.addf %dot_general3A_5, %add3A : vector<2500x128xf32>
    %get3A_10 = arith.constant 0 : index
    %get3A_11 = arith.constant 0 : index
    %get3A_12 = vector.load %arg6[%get3A_10, %get3A_11] : memref<1x128xf32, #tpu.memory_space<vmem>>, vector<1x128xf32>
    %get3A_13 = arith.constant 0 : index
    %get3A_14 = arith.constant 0 : index
    %get3A_15 = vector.load %arg7[%get3A_13, %get3A_14] : memref<1x128xf32, #tpu.memory_space<vmem>>, vector<1x128xf32>
    %slice3A = vector.extract_strided_slice %add3A_9 {offsets = [0, 0], sizes = [2500, 64], strides = [1, 1]} : vector<2500x128xf32> to vector<2500x64xf32>
    %slice3A_16 = vector.extract_strided_slice %add3A_9 {offsets = [0, 64], sizes = [2500, 64], strides = [1, 1]} : vector<2500x128xf32> to vector<2500x64xf32>
    %reduce_sum3A = arith.constant dense<0.000000e+00> : vector<2500xf32>
    %reduce_sum3A_17 = vector.multi_reduction <add>, %slice3A, %reduce_sum3A [1] : vector<2500x64xf32> to vector<2500xf32>
    %broadcast_in_dim3A = vector.shape_cast %reduce_sum3A_17 : vector<2500xf32> to vector<2500x1xf32>
    %div3A = arith.constant 6.400000e+01 : f32
    %div3A_18 = vector.broadcast %div3A : f32 to vector<2500x1xf32>
    %div3A_19 = arith.divf %broadcast_in_dim3A, %div3A_18 : vector<2500x1xf32>
    %sub3A = vector.broadcast %div3A_19 : vector<2500x1xf32> to vector<2500x64xf32>
    %sub3A_20 = arith.subf %slice3A, %sub3A : vector<2500x64xf32>
    %sub3A_21 = vector.broadcast %div3A_19 : vector<2500x1xf32> to vector<2500x64xf32>
    %sub3A_22 = arith.subf %slice3A, %sub3A_21 : vector<2500x64xf32>
    %mul3A = arith.mulf %sub3A_20, %sub3A_22 : vector<2500x64xf32>
    %reduce_sum3A_23 = arith.constant dense<0.000000e+00> : vector<2500xf32>
    %reduce_sum3A_24 = vector.multi_reduction <add>, %mul3A, %reduce_sum3A_23 [1] : vector<2500x64xf32> to vector<2500xf32>
    %broadcast_in_dim3A_25 = vector.shape_cast %reduce_sum3A_24 : vector<2500xf32> to vector<2500x1xf32>
    %div3A_26 = arith.constant 6.400000e+01 : f32
    %div3A_27 = vector.broadcast %div3A_26 : f32 to vector<2500x1xf32>
    %div3A_28 = arith.divf %broadcast_in_dim3A_25, %div3A_27 : vector<2500x1xf32>
    %sub3A_29 = vector.broadcast %div3A_19 : vector<2500x1xf32> to vector<2500x64xf32>
    %sub3A_30 = arith.subf %slice3A, %sub3A_29 : vector<2500x64xf32>
    %add3A_31 = arith.constant 9.99999974E-6 : f32
    %add3A_32 = vector.broadcast %add3A_31 : f32 to vector<2500x1xf32>
    %add3A_33 = arith.addf %div3A_28, %add3A_32 : vector<2500x1xf32>
    %rsqrt3A = math.rsqrt %add3A_33 : vector<2500x1xf32>
    %mul3A_34 = vector.broadcast %rsqrt3A : vector<2500x1xf32> to vector<2500x64xf32>
    %mul3A_35 = arith.mulf %sub3A_30, %mul3A_34 : vector<2500x64xf32>
    %reduce_sum3A_36 = arith.constant dense<0.000000e+00> : vector<2500xf32>
    %reduce_sum3A_37 = vector.multi_reduction <add>, %slice3A_16, %reduce_sum3A_36 [1] : vector<2500x64xf32> to vector<2500xf32>
    %broadcast_in_dim3A_38 = vector.shape_cast %reduce_sum3A_37 : vector<2500xf32> to vector<2500x1xf32>
    %div3A_39 = arith.constant 6.400000e+01 : f32
    %div3A_40 = vector.broadcast %div3A_39 : f32 to vector<2500x1xf32>
    %div3A_41 = arith.divf %broadcast_in_dim3A_38, %div3A_40 : vector<2500x1xf32>
    %sub3A_42 = vector.broadcast %div3A_41 : vector<2500x1xf32> to vector<2500x64xf32>
    %sub3A_43 = arith.subf %slice3A_16, %sub3A_42 : vector<2500x64xf32>
    %sub3A_44 = vector.broadcast %div3A_41 : vector<2500x1xf32> to vector<2500x64xf32>
    %sub3A_45 = arith.subf %slice3A_16, %sub3A_44 : vector<2500x64xf32>
    %mul3A_46 = arith.mulf %sub3A_43, %sub3A_45 : vector<2500x64xf32>
    %reduce_sum3A_47 = arith.constant dense<0.000000e+00> : vector<2500xf32>
    %reduce_sum3A_48 = vector.multi_reduction <add>, %mul3A_46, %reduce_sum3A_47 [1] : vector<2500x64xf32> to vector<2500xf32>
    %broadcast_in_dim3A_49 = vector.shape_cast %reduce_sum3A_48 : vector<2500xf32> to vector<2500x1xf32>
    %div3A_50 = arith.constant 6.400000e+01 : f32
    %div3A_51 = vector.broadcast %div3A_50 : f32 to vector<2500x1xf32>
    %div3A_52 = arith.divf %broadcast_in_dim3A_49, %div3A_51 : vector<2500x1xf32>
    %sub3A_53 = vector.broadcast %div3A_41 : vector<2500x1xf32> to vector<2500x64xf32>
    %sub3A_54 = arith.subf %slice3A_16, %sub3A_53 : vector<2500x64xf32>
    %add3A_55 = arith.constant 9.99999974E-6 : f32
    %add3A_56 = vector.broadcast %add3A_55 : f32 to vector<2500x1xf32>
    %add3A_57 = arith.addf %div3A_52, %add3A_56 : vector<2500x1xf32>
    %rsqrt3A_58 = math.rsqrt %add3A_57 : vector<2500x1xf32>
    %mul3A_59 = vector.broadcast %rsqrt3A_58 : vector<2500x1xf32> to vector<2500x64xf32>
    %mul3A_60 = arith.mulf %sub3A_54, %mul3A_59 : vector<2500x64xf32>
    %concatenate3A = tpu.concatenate %mul3A_35, %mul3A_60 in 1 : vector<2500x64xf32>, vector<2500x64xf32> -> vector<2500x128xf32>
    %mul3A_61 = vector.broadcast %get3A_12 : vector<1x128xf32> to vector<2500x128xf32>
    %mul3A_62 = arith.mulf %concatenate3A, %mul3A_61 : vector<2500x128xf32>
    %add3A_63 = vector.broadcast %get3A_15 : vector<1x128xf32> to vector<2500x128xf32>
    %add3A_64 = arith.addf %mul3A_62, %add3A_63 : vector<2500x128xf32>
    %ge3A = arith.constant 0.000000e+00 : f32
    %ge3A_65 = vector.broadcast %ge3A : f32 to vector<2500x128xf32>
    %ge3A_66 = arith.cmpf oge, %add3A_64, %ge3A_65 : vector<2500x128xf32>
    %mul3A_67 = arith.constant 0.00999999977 : f32
    %mul3A_68 = vector.broadcast %mul3A_67 : f32 to vector<2500x128xf32>
    %mul3A_69 = arith.mulf %mul3A_68, %add3A_64 : vector<2500x128xf32>
    %select_n3A = arith.select %ge3A_66, %add3A_64, %mul3A_69 : vector<2500x128xi1>, vector<2500x128xf32>
    %get3A_70 = arith.constant 0 : index
    %get3A_71 = arith.constant 0 : index
    %get3A_72 = vector.load %arg1[%get3A_70, %get3A_71] : memref<2500x256xf32, #tpu.memory_space<vmem>>, vector<2500x256xf32>
    %get3A_73 = arith.constant 0 : index
    %get3A_74 = arith.constant 0 : index
    %get3A_75 = vector.load %arg8[%get3A_73, %get3A_74] : memref<256x128xf32, #tpu.memory_space<vmem>>, vector<256x128xf32>
    %dot_general3A_76 = arith.constant dense<0.000000e+00> : vector<2500x128xf32>
    %dot_general3A_77 = tpu.matmul %get3A_72, %get3A_75, %dot_general3A_76 {dimension_numbers = #tpu.dot_dimension_numbers<[1], [0], [0], [1], [0, 0, 1, 1], [], []>, transpose_lhs_hint = false} : vector<2500x256xf32>, vector<256x128xf32>, vector<2500x128xf32> -> vector<2500x128xf32>
    %get3A_78 = arith.constant 0 : index
    %get3A_79 = arith.constant 0 : index
    %get3A_80 = vector.load %arg9[%get3A_78, %get3A_79] : memref<1x128xf32, #tpu.memory_space<vmem>>, vector<1x128xf32>
    %add3A_81 = vector.broadcast %get3A_80 : vector<1x128xf32> to vector<2500x128xf32>
    %add3A_82 = arith.addf %dot_general3A_77, %add3A_81 : vector<2500x128xf32>
    %get3A_83 = arith.constant 0 : index
    %get3A_84 = arith.constant 0 : index
    %get3A_85 = vector.load %arg10[%get3A_83, %get3A_84] : memref<1x128xf32, #tpu.memory_space<vmem>>, vector<1x128xf32>
    %get3A_86 = arith.constant 0 : index
    %get3A_87 = arith.constant 0 : index
    %get3A_88 = vector.load %arg11[%get3A_86, %get3A_87] : memref<1x128xf32, #tpu.memory_space<vmem>>, vector<1x128xf32>
    %slice3A_89 = vector.extract_strided_slice %add3A_82 {offsets = [0, 0], sizes = [2500, 64], strides = [1, 1]} : vector<2500x128xf32> to vector<2500x64xf32>
    %slice3A_90 = vector.extract_strided_slice %add3A_82 {offsets = [0, 64], sizes = [2500, 64], strides = [1, 1]} : vector<2500x128xf32> to vector<2500x64xf32>
    %reduce_sum3A_91 = arith.constant dense<0.000000e+00> : vector<2500xf32>
    %reduce_sum3A_92 = vector.multi_reduction <add>, %slice3A_89, %reduce_sum3A_91 [1] : vector<2500x64xf32> to vector<2500xf32>
    %broadcast_in_dim3A_93 = vector.shape_cast %reduce_sum3A_92 : vector<2500xf32> to vector<2500x1xf32>
    %div3A_94 = arith.constant 6.400000e+01 : f32
    %div3A_95 = vector.broadcast %div3A_94 : f32 to vector<2500x1xf32>
    %div3A_96 = arith.divf %broadcast_in_dim3A_93, %div3A_95 : vector<2500x1xf32>
    %sub3A_97 = vector.broadcast %div3A_96 : vector<2500x1xf32> to vector<2500x64xf32>
    %sub3A_98 = arith.subf %slice3A_89, %sub3A_97 : vector<2500x64xf32>
    %sub3A_99 = vector.broadcast %div3A_96 : vector<2500x1xf32> to vector<2500x64xf32>
    %sub3A_100 = arith.subf %slice3A_89, %sub3A_99 : vector<2500x64xf32>
    %mul3A_101 = arith.mulf %sub3A_98, %sub3A_100 : vector<2500x64xf32>
    %reduce_sum3A_102 = arith.constant dense<0.000000e+00> : vector<2500xf32>
    %reduce_sum3A_103 = vector.multi_reduction <add>, %mul3A_101, %reduce_sum3A_102 [1] : vector<2500x64xf32> to vector<2500xf32>
    %broadcast_in_dim3A_104 = vector.shape_cast %reduce_sum3A_103 : vector<2500xf32> to vector<2500x1xf32>
    %div3A_105 = arith.constant 6.400000e+01 : f32
    %div3A_106 = vector.broadcast %div3A_105 : f32 to vector<2500x1xf32>
    %div3A_107 = arith.divf %broadcast_in_dim3A_104, %div3A_106 : vector<2500x1xf32>
    %sub3A_108 = vector.broadcast %div3A_96 : vector<2500x1xf32> to vector<2500x64xf32>
    %sub3A_109 = arith.subf %slice3A_89, %sub3A_108 : vector<2500x64xf32>
    %add3A_110 = arith.constant 9.99999974E-6 : f32
    %add3A_111 = vector.broadcast %add3A_110 : f32 to vector<2500x1xf32>
    %add3A_112 = arith.addf %div3A_107, %add3A_111 : vector<2500x1xf32>
    %rsqrt3A_113 = math.rsqrt %add3A_112 : vector<2500x1xf32>
    %mul3A_114 = vector.broadcast %rsqrt3A_113 : vector<2500x1xf32> to vector<2500x64xf32>
    %mul3A_115 = arith.mulf %sub3A_109, %mul3A_114 : vector<2500x64xf32>
    %reduce_sum3A_116 = arith.constant dense<0.000000e+00> : vector<2500xf32>
    %reduce_sum3A_117 = vector.multi_reduction <add>, %slice3A_90, %reduce_sum3A_116 [1] : vector<2500x64xf32> to vector<2500xf32>
    %broadcast_in_dim3A_118 = vector.shape_cast %reduce_sum3A_117 : vector<2500xf32> to vector<2500x1xf32>
    %div3A_119 = arith.constant 6.400000e+01 : f32
    %div3A_120 = vector.broadcast %div3A_119 : f32 to vector<2500x1xf32>
    %div3A_121 = arith.divf %broadcast_in_dim3A_118, %div3A_120 : vector<2500x1xf32>
    %sub3A_122 = vector.broadcast %div3A_121 : vector<2500x1xf32> to vector<2500x64xf32>
    %sub3A_123 = arith.subf %slice3A_90, %sub3A_122 : vector<2500x64xf32>
    %sub3A_124 = vector.broadcast %div3A_121 : vector<2500x1xf32> to vector<2500x64xf32>
    %sub3A_125 = arith.subf %slice3A_90, %sub3A_124 : vector<2500x64xf32>
    %mul3A_126 = arith.mulf %sub3A_123, %sub3A_125 : vector<2500x64xf32>
    %reduce_sum3A_127 = arith.constant dense<0.000000e+00> : vector<2500xf32>
    %reduce_sum3A_128 = vector.multi_reduction <add>, %mul3A_126, %reduce_sum3A_127 [1] : vector<2500x64xf32> to vector<2500xf32>
    %broadcast_in_dim3A_129 = vector.shape_cast %reduce_sum3A_128 : vector<2500xf32> to vector<2500x1xf32>
    %div3A_130 = arith.constant 6.400000e+01 : f32
    %div3A_131 = vector.broadcast %div3A_130 : f32 to vector<2500x1xf32>
    %div3A_132 = arith.divf %broadcast_in_dim3A_129, %div3A_131 : vector<2500x1xf32>
    %sub3A_133 = vector.broadcast %div3A_121 : vector<2500x1xf32> to vector<2500x64xf32>
    %sub3A_134 = arith.subf %slice3A_90, %sub3A_133 : vector<2500x64xf32>
    %add3A_135 = arith.constant 9.99999974E-6 : f32
    %add3A_136 = vector.broadcast %add3A_135 : f32 to vector<2500x1xf32>
    %add3A_137 = arith.addf %div3A_132, %add3A_136 : vector<2500x1xf32>
    %rsqrt3A_138 = math.rsqrt %add3A_137 : vector<2500x1xf32>
    %mul3A_139 = vector.broadcast %rsqrt3A_138 : vector<2500x1xf32> to vector<2500x64xf32>
    %mul3A_140 = arith.mulf %sub3A_134, %mul3A_139 : vector<2500x64xf32>
    %concatenate3A_141 = tpu.concatenate %mul3A_115, %mul3A_140 in 1 : vector<2500x64xf32>, vector<2500x64xf32> -> vector<2500x128xf32>
    %mul3A_142 = vector.broadcast %get3A_85 : vector<1x128xf32> to vector<2500x128xf32>
    %mul3A_143 = arith.mulf %concatenate3A_141, %mul3A_142 : vector<2500x128xf32>
    %add3A_144 = vector.broadcast %get3A_88 : vector<1x128xf32> to vector<2500x128xf32>
    %add3A_145 = arith.addf %mul3A_143, %add3A_144 : vector<2500x128xf32>
    %ge3A_146 = arith.constant 0.000000e+00 : f32
    %ge3A_147 = vector.broadcast %ge3A_146 : f32 to vector<2500x128xf32>
    %ge3A_148 = arith.cmpf oge, %add3A_145, %ge3A_147 : vector<2500x128xf32>
    %mul3A_149 = arith.constant 0.00999999977 : f32
    %mul3A_150 = vector.broadcast %mul3A_149 : f32 to vector<2500x128xf32>
    %mul3A_151 = arith.mulf %mul3A_150, %add3A_145 : vector<2500x128xf32>
    %select_n3A_152 = arith.select %ge3A_148, %add3A_145, %mul3A_151 : vector<2500x128xi1>, vector<2500x128xf32>
    %swap3A = arith.constant 0 : index
    %swap3A_153 = arith.constant 0 : index
    %swap3A_154 = vector.load %arg18[%swap3A, %swap3A_153] : memref<5000x128xf32, #tpu.memory_space<vmem>>, vector<2500x128xf32>
    tpu.vector_store %arg18[%swap3A, %swap3A_153], %select_n3A {strides = array<i32>} : memref<5000x128xf32, #tpu.memory_space<vmem>>, vector<2500x128xf32>,
    %swap3A_155 = arith.constant 2500 : index
    %swap3A_156 = arith.constant 0 : index
    %swap3A_157 = vector.load %arg18[%swap3A_155, %swap3A_156] : memref<5000x128xf32, #tpu.memory_space<vmem>>, vector<2500x128xf32>
    tpu.vector_store %arg18[%swap3A_155, %swap3A_156], %select_n3A_152 {strides = array<i32>} : memref<5000x128xf32, #tpu.memory_space<vmem>>, vector<2500x128xf32>,
    tpu.enqueue_dma source(%arg18 : memref<5000x128xf32, #tpu.memory_space<vmem>>) target(%arg16 : memref<5000x128xf32, #tpu.memory_space<hbm>>) target_semaphore(%arg19 : memref<!tpu.dma_semaphore, #tpu.memory_space<semaphore_mem>>)
    tpu.wait_dma2 semaphore(%arg19 : memref<!tpu.dma_semaphore, #tpu.memory_space<semaphore_mem>>) src(%arg18 : memref<5000x128xf32, #tpu.memory_space<vmem>>) dst(%arg16 : memref<5000x128xf32, #tpu.memory_space<hbm>>)
    %concatenate3A_158 = tpu.concatenate %select_n3A, %select_n3A_152 in 0 : vector<2500x128xf32>, vector<2500x128xf32> -> vector<5000x128xf32>
    %iota3A = tpu.iota {dimensions = array<i32: 0>} : vector<64x5000xi32>
    %get3A_159 = arith.constant 0 : index
    %get3A_160 = arith.constant 0 : index
    %get3A_161 = vector.load %arg2[%get3A_159, %get3A_160] : memref<1x5000xi32, #tpu.memory_space<vmem>>, vector<1x5000xi32>
    %broadcast_in_dim3A_162 = vector.shape_cast %get3A_161 : vector<1x5000xi32> to vector<1x5000xi32>
    %broadcast_in_dim3A_163 = vector.broadcast %broadcast_in_dim3A_162 : vector<1x5000xi32> to vector<64x5000xi32>
    %eq3A = arith.cmpi eq, %iota3A, %broadcast_in_dim3A_163 : vector<64x5000xi32>
    %convert_element_type3A = arith.extui %eq3A : vector<64x5000xi1> to vector<64x5000xi32>
    %convert_element_type3A_164 = arith.sitofp %convert_element_type3A : vector<64x5000xi32> to vector<64x5000xf32>
    %get3A_165 = arith.constant 0 : index
    %get3A_166 = arith.constant 0 : index
    %get3A_167 = vector.load %arg3[%get3A_165, %get3A_166] : memref<1x5000xi32, #tpu.memory_space<vmem>>, vector<1x5000xi32>
    %broadcast_in_dim3A_168 = vector.shape_cast %get3A_167 : vector<1x5000xi32> to vector<1x5000xi32>
    %broadcast_in_dim3A_169 = vector.broadcast %broadcast_in_dim3A_168 : vector<1x5000xi32> to vector<64x5000xi32>
    %eq3A_170 = arith.cmpi eq, %iota3A, %broadcast_in_dim3A_169 : vector<64x5000xi32>
    %convert_element_type3A_171 = arith.extui %eq3A_170 : vector<64x5000xi1> to vector<64x5000xi32>
    %convert_element_type3A_172 = arith.sitofp %convert_element_type3A_171 : vector<64x5000xi32> to vector<64x5000xf32>
    %slice3A_173 = vector.extract_strided_slice %concatenate3A_158 {offsets = [0, 0], sizes = [5000, 64], strides = [1, 1]} : vector<5000x128xf32> to vector<5000x64xf32>
    %dot_general3A_174 = arith.constant dense<0.000000e+00> : vector<64x64xf32>
    %dot_general3A_175 = tpu.matmul %convert_element_type3A_164, %slice3A_173, %dot_general3A_174 {dimension_numbers = #tpu.dot_dimension_numbers<[1], [0], [0], [1], [0, 0, 1, 1], [], []>, transpose_lhs_hint = false} : vector<64x5000xf32>, vector<5000x64xf32>, vector<64x64xf32> -> vector<64x64xf32>
    %slice3A_176 = vector.extract_strided_slice %concatenate3A_158 {offsets = [0, 64], sizes = [5000, 64], strides = [1, 1]} : vector<5000x128xf32> to vector<5000x64xf32>
    %dot_general3A_177 = arith.constant dense<0.000000e+00> : vector<64x64xf32>
    %dot_general3A_178 = tpu.matmul %convert_element_type3A_172, %slice3A_176, %dot_general3A_177 {dimension_numbers = #tpu.dot_dimension_numbers<[1], [0], [0], [1], [0, 0, 1, 1], [], []>, transpose_lhs_hint = false} : vector<64x5000xf32>, vector<5000x64xf32>, vector<64x64xf32> -> vector<64x64xf32>
    %add3A_179 = arith.addf %dot_general3A_175, %dot_general3A_178 : vector<64x64xf32>
    %reduce_sum3A_180 = arith.constant dense<0.000000e+00> : vector<64xf32>
    %reduce_sum3A_181 = vector.multi_reduction <add>, %convert_element_type3A_164, %reduce_sum3A_180 [1] : vector<64x5000xf32> to vector<64xf32>
    %broadcast_in_dim3A_182 = vector.shape_cast %reduce_sum3A_181 : vector<64xf32> to vector<64x1xf32>
    %reduce_sum3A_183 = arith.constant dense<0.000000e+00> : vector<64xf32>
    %reduce_sum3A_184 = vector.multi_reduction <add>, %convert_element_type3A_172, %reduce_sum3A_183 [1] : vector<64x5000xf32> to vector<64xf32>
    %broadcast_in_dim3A_185 = vector.shape_cast %reduce_sum3A_184 : vector<64xf32> to vector<64x1xf32>
    %add3A_186 = arith.addf %broadcast_in_dim3A_182, %broadcast_in_dim3A_185 : vector<64x1xf32>
    %max3A = arith.constant 1.000000e+00 : f32
    %max3A_187 = vector.broadcast %max3A : f32 to vector<64x1xf32>
    %max3A_188 = arith.maximumf %add3A_186, %max3A_187 : vector<64x1xf32>
    %div3A_189 = vector.broadcast %max3A_188 : vector<64x1xf32> to vector<64x64xf32>
    %div3A_190 = arith.divf %add3A_179, %div3A_189 : vector<64x64xf32>
    %get3A_191 = arith.constant 0 : index
    %get3A_192 = arith.constant 0 : index
    %get3A_193 = vector.load %arg12[%get3A_191, %get3A_192] : memref<64x32xf32, #tpu.memory_space<vmem>>, vector<64x32xf32>
    %dot_general3A_194 = arith.constant dense<0.000000e+00> : vector<64x32xf32>
    %dot_general3A_195 = tpu.matmul %div3A_190, %get3A_193, %dot_general3A_194 {dimension_numbers = #tpu.dot_dimension_numbers<[1], [0], [0], [1], [0, 0, 1, 1], [], []>, transpose_lhs_hint = false} : vector<64x64xf32>, vector<64x32xf32>, vector<64x32xf32> -> vector<64x32xf32>
    %get3A_196 = arith.constant 0 : index
    %get3A_197 = arith.constant 0 : index
    %get3A_198 = vector.load %arg13[%get3A_196, %get3A_197] : memref<1x32xf32, #tpu.memory_space<vmem>>, vector<1x32xf32>
    %add3A_199 = vector.broadcast %get3A_198 : vector<1x32xf32> to vector<64x32xf32>
    %add3A_200 = arith.addf %dot_general3A_195, %add3A_199 : vector<64x32xf32>
    %ge3A_201 = arith.constant 0.000000e+00 : f32
    %ge3A_202 = vector.broadcast %ge3A_201 : f32 to vector<64x32xf32>
    %ge3A_203 = arith.cmpf oge, %add3A_200, %ge3A_202 : vector<64x32xf32>
    %mul3A_204 = arith.constant 0.00999999977 : f32
    %mul3A_205 = vector.broadcast %mul3A_204 : f32 to vector<64x32xf32>
    %mul3A_206 = arith.mulf %mul3A_205, %add3A_200 : vector<64x32xf32>
    %select_n3A_207 = arith.select %ge3A_203, %add3A_200, %mul3A_206 : vector<64x32xi1>, vector<64x32xf32>
    %get3A_208 = arith.constant 0 : index
    %get3A_209 = arith.constant 0 : index
    %get3A_210 = vector.load %arg14[%get3A_208, %get3A_209] : memref<32x8xf32, #tpu.memory_space<vmem>>, vector<32x8xf32>
    %dot_general3A_211 = arith.constant dense<0.000000e+00> : vector<64x8xf32>
    %dot_general3A_212 = tpu.matmul %select_n3A_207, %get3A_210, %dot_general3A_211 {dimension_numbers = #tpu.dot_dimension_numbers<[1], [0], [0], [1], [0, 0, 1, 1], [], []>, transpose_lhs_hint = false} : vector<64x32xf32>, vector<32x8xf32>, vector<64x8xf32> -> vector<64x8xf32>
    %get3A_213 = arith.constant 0 : index
    %get3A_214 = arith.constant 0 : index
    %get3A_215 = vector.load %arg15[%get3A_213, %get3A_214] : memref<1x8xf32, #tpu.memory_space<vmem>>, vector<1x8xf32>
    %add3A_216 = vector.broadcast %get3A_215 : vector<1x8xf32> to vector<64x8xf32>
    %add3A_217 = arith.addf %dot_general3A_212, %add3A_216 : vector<64x8xf32>
    %swap3A_218 = arith.constant 0 : index
    %swap3A_219 = arith.constant 0 : index
    %swap3A_220 = vector.load %arg17[%swap3A_218, %swap3A_219] : memref<64x8xf32, #tpu.memory_space<vmem>>, vector<64x8xf32>
    tpu.vector_store %arg17[%swap3A_218, %swap3A_219], %add3A_217 {strides = array<i32>} : memref<64x8xf32, #tpu.memory_space<vmem>>, vector<64x8xf32>,
    return
  }
}

module attributes {stable_mosaic.version = 14 : i64} {
  func.func @_stage_c_body(%arg0: i32, %arg1: memref<1280x128xf32, #tpu.memory_space<vmem>>, %arg2: memref<128x128xf32, #tpu.memory_space<vmem>>, %arg3: memref<1x128xf32, #tpu.memory_space<vmem>>, %arg4: memref<128x16xf32, #tpu.memory_space<vmem>>, %arg5: memref<16x1xf32, #tpu.memory_space<vmem>>, %arg6: memref<16x1280xf32, #tpu.memory_space<vmem>>) attributes {dimension_semantics = [#tpu.dimension_semantics<arbitrary>], iteration_bounds = array<i64: 125>, scalar_prefetch = 0 : i64, scratch_operands = 0 : i64, tpu.core_type = #tpu.core_type<tc>, window_params = [{transform_indices = @transform_0, window_bounds = array<i64: 1280, 128>}, {pipeline_mode = #tpu.pipeline_mode<synchronous>, transform_indices = @transform_1, window_bounds = array<i64: 128, 128>}, {pipeline_mode = #tpu.pipeline_mode<synchronous>, transform_indices = @transform_2, window_bounds = array<i64: 1, 128>}, {pipeline_mode = #tpu.pipeline_mode<synchronous>, transform_indices = @transform_3, window_bounds = array<i64: 128, 16>}, {pipeline_mode = #tpu.pipeline_mode<synchronous>, transform_indices = @transform_4, window_bounds = array<i64: 16, 1>}, {transform_indices = @transform_5, window_bounds = array<i64: 16, 1280>}]} {
    %get3A = arith.constant 0 : index
    %get3A_0 = arith.constant 0 : index
    %get3A_1 = vector.load %arg1[%get3A, %get3A_0] : memref<1280x128xf32, #tpu.memory_space<vmem>>, vector<1280x128xf32>
    %get3A_2 = arith.constant 0 : index
    %get3A_3 = arith.constant 0 : index
    %get3A_4 = vector.load %arg2[%get3A_2, %get3A_3] : memref<128x128xf32, #tpu.memory_space<vmem>>, vector<128x128xf32>
    %dot_general3A = arith.constant dense<0.000000e+00> : vector<1280x128xf32>
    %dot_general3A_5 = tpu.matmul %get3A_1, %get3A_4, %dot_general3A {dimension_numbers = #tpu.dot_dimension_numbers<[1], [0], [0], [1], [0, 0, 1, 1], [], []>, transpose_lhs_hint = false} : vector<1280x128xf32>, vector<128x128xf32>, vector<1280x128xf32> -> vector<1280x128xf32>
    %get3A_6 = arith.constant 0 : index
    %get3A_7 = arith.constant 0 : index
    %get3A_8 = vector.load %arg3[%get3A_6, %get3A_7] : memref<1x128xf32, #tpu.memory_space<vmem>>, vector<1x128xf32>
    %add3A = vector.broadcast %get3A_8 : vector<1x128xf32> to vector<1280x128xf32>
    %add3A_9 = arith.addf %dot_general3A_5, %add3A : vector<1280x128xf32>
    %ge3A = arith.constant 0.000000e+00 : f32
    %ge3A_10 = vector.broadcast %ge3A : f32 to vector<1280x128xf32>
    %ge3A_11 = arith.cmpf oge, %add3A_9, %ge3A_10 : vector<1280x128xf32>
    %mul3A = arith.constant 0.00999999977 : f32
    %mul3A_12 = vector.broadcast %mul3A : f32 to vector<1280x128xf32>
    %mul3A_13 = arith.mulf %mul3A_12, %add3A_9 : vector<1280x128xf32>
    %select_n3A = arith.select %ge3A_11, %add3A_9, %mul3A_13 : vector<1280x128xi1>, vector<1280x128xf32>
    %get3A_14 = arith.constant 0 : index
    %get3A_15 = arith.constant 0 : index
    %get3A_16 = vector.load %arg4[%get3A_14, %get3A_15] : memref<128x16xf32, #tpu.memory_space<vmem>>, vector<128x16xf32>
    %dot_general3A_17 = arith.constant dense<0.000000e+00> : vector<16x1280xf32>
    %dot_general3A_18 = tpu.matmul %get3A_16, %select_n3A, %dot_general3A_17 {dimension_numbers = #tpu.dot_dimension_numbers<[0], [1], [1], [0], [0, 1, 1, 0], [], []>, transpose_lhs_hint = false} : vector<128x16xf32>, vector<1280x128xf32>, vector<16x1280xf32> -> vector<16x1280xf32>
    %get3A_19 = arith.constant 0 : index
    %get3A_20 = arith.constant 0 : index
    %get3A_21 = vector.load %arg5[%get3A_19, %get3A_20] : memref<16x1xf32, #tpu.memory_space<vmem>>, vector<16x1xf32>
    %add3A_22 = vector.broadcast %get3A_21 : vector<16x1xf32> to vector<16x1280xf32>
    %add3A_23 = arith.addf %dot_general3A_18, %add3A_22 : vector<16x1280xf32>
    %swap3A = arith.constant 0 : index
    %swap3A_24 = arith.constant 0 : index
    %swap3A_25 = vector.load %arg6[%swap3A, %swap3A_24] : memref<16x1280xf32, #tpu.memory_space<vmem>>, vector<16x1280xf32>
    tpu.vector_store %arg6[%swap3A, %swap3A_24], %add3A_23 {strides = array<i32>} : memref<16x1280xf32, #tpu.memory_space<vmem>>, vector<16x1280xf32>,
    return
  }
  func.func @transform_0(%arg0: i32) -> (i32, i32) {
    %c0_i32 = arith.constant 0 : i32
    %c0_i32_0 = arith.constant 0 : i32
    return %arg0, %c0_i32 : i32, i32
  }
  func.func @transform_1(%arg0: i32) -> (i32, i32) {
    %c0_i32 = arith.constant 0 : i32
    %c0_i32_0 = arith.constant 0 : i32
    %c0_i32_1 = arith.constant 0 : i32
    return %c0_i32, %c0_i32_0 : i32, i32
  }
  func.func @transform_2(%arg0: i32) -> (i32, i32) {
    %c0_i32 = arith.constant 0 : i32
    %c0_i32_0 = arith.constant 0 : i32
    %c0_i32_1 = arith.constant 0 : i32
    return %c0_i32, %c0_i32_0 : i32, i32
  }
  func.func @transform_3(%arg0: i32) -> (i32, i32) {
    %c0_i32 = arith.constant 0 : i32
    %c0_i32_0 = arith.constant 0 : i32
    %c0_i32_1 = arith.constant 0 : i32
    return %c0_i32, %c0_i32_0 : i32, i32
  }
  func.func @transform_4(%arg0: i32) -> (i32, i32) {
    %c0_i32 = arith.constant 0 : i32
    %c0_i32_0 = arith.constant 0 : i32
    %c0_i32_1 = arith.constant 0 : i32
    return %c0_i32, %c0_i32_0 : i32, i32
  }
  func.func @transform_5(%arg0: i32) -> (i32, i32) {
    %c0_i32 = arith.constant 0 : i32
    %c0_i32_0 = arith.constant 0 : i32
    return %c0_i32, %arg0 : i32, i32
  }
}

</mosaic_0001>

<sc_bundles>
// kernel: kernel.5.cloned.1.call-start
scs
__scs_entry_jumppad:
0x0: {  	(pc) =	sbr.rel $0x88, $3  }
0x1: {  	(tag) =	ssettag $0x0;
	lr =	simm.s32 $0x1  }
0x2: {  	[smem:$0x3F8C] =	sst lr;
	_ =	strace $0xD0000000  }
0x3: {  	_ = 	snop  }
0x4: {  	_ = 	snop  }
0x5: {  	_ = 	snop  }
0x6: {  	_ = 	snop  }
0x7: {  	_ = 	snop  }
__scs_overlays_trampoline_lowered:
0x8: {  	[smem:$0x3F9B] =	sst s0  }
0x9: {  	[smem:$0x3F9C] =	sst s1  }
0xa: {  	[smem:$0x3F9D] =	sst s2  }
0xb: {  	[smem:$0x3F9E] =	sst s3  }
0xc: {  	[smem:$0x3F9F] =	sst s4  }
0xd: {  	[smem:$0x3FA0] =	sst s5  }
0xe: {  	[smem:$0x3FA1] =	sst s6  }
0xf: {  	[smem:$0x3FA2] =	sst s7  }
0x10: {  	[smem:$0x3FA3] =	sst s8  }
0x11: {  	[smem:$0x3FA4] =	sst s9;
	s0 =	simm.s32 @!p0 $0x0  }
0x12: {  	s1 =	sld [smem:$0x3F8A];
	s0 =	simm.s32 @p0 $0x1  }
0x13: {  	[smem:$0x3FA5] =	sst s0;
	s0 =	simm.s32 @!p1 $0x0  }
0x14: {  	s2 =	sld [smem:$0x3F89];
	s0 =	simm.s32 @p1 $0x1  }
0x15: {  	[smem:$0x3FA6] =	sst s0;
	s0 =	simm.s32 @!p2 $0x0  }
0x16: {  	s3 =	sld [smem:$0x3FDB];
	s0 =	simm.s32 @p2 $0x1  }
0x17: {  	s4 =	simm.s32 $0x1BF5;
	[smem:$0x3FA8] =	sst s0  }
0x18: {  	s0 =	sld [smem:$0x3F8B];
	_ =	swait.ge [sflag:s4], $0x0  }
0x19: {  	s7 =	sld [smem:$0x3F8C]  }
0x1a: {  	s8 =	sadd.s32 $0xFFFFE003, lr  }
0x1b: {  	s9 =	sadd.s32 $0xFFFFFEF7, lr;
	s5 =	simm.s32 $0xFFFFFFFF;
	p2 =	slt.u32 s8, $0xFFFFF086  }
0x1c: {  	p1 =	slt.u32 s9, $0xF7A;
	s5 =	simm.s32 @!p2 $0x0  }
0x1d: {  	s5 =	simm.s32 @p1 $0x1;
	p0 =	seq.s32 s7, s2  }
0x1e: {  	s7 =	smul.u32 @!p0 $0xF7A, s2;
	p2 =	seq.s32 @!p0 s5, $0x0  }
0x1f: {  	s9 =	smul.u32 $0xF7A, s1;
	s8 =	simm.s32 @!p0 $0x1BF5;
	p2 =	por !p2, p0  }
0x20: {  	[sflag:s8] =	ssyncset.s32 @!p0 $0xFFFFF086;
	s6 =	sadd.s32 @!p0 s3, s7;
	s7 =	simm.s32 @!p0 $0x108  }
0x21: {  	s3 =	sadd.s32 s3, s9;
	s6 =	sadd.s32 @!p0 $0x88, s6;
	s7 =	simm.s32 @p2 $0x1082  }
0x22: {  	[simem:s7], [sflag:s8] =	dma.local @!p0 [hbm:s6], $0xF7A  }
0x23: {  	s9 =	sor.u32 $0xD0000000, s2;
	s6 =	simm.s32 $0x108;
	_ =	swait.ge @!p0 [sflag:s8], $0x0  }
0x24: {  	s3 =	sadd.s32 $0x88, s3;
	s6 =	simm.s32 @!p1 $0x1082;
	[sflag:s4] =	ssyncset.s32 $0xFFFFF086  }
0x25: {  	[simem:s6], [sflag:s4] =	dma.local [hbm:s3], $0xF7A  }
0x26: {  	[smem:$0x3F8C] =	sst s1;
	(tag) =	ssettag s2;
	_ =	strace s9  }
0x27: {  	s1 =	sld [smem:$0x3F9C]  }
0x28: {  	s2 =	sld [smem:$0x3F9D]  }
0x29: {  	s4 =	sld [smem:$0x3F9F]  }
0x2a: {  	p0 =	seq.s32 s5, $0x0;
	s5 =	sld [smem:$0x3FA0]  }
0x2b: {  	s6 =	sld [smem:$0x3FA1]  }
0x2c: {  	s7 =	sld [smem:$0x3FA2]  }
0x2d: {  	s3 =	simm.s32 $0x108;
	s8 =	sld [smem:$0x3FA3]  }
0x2e: {  	s3 =	simm.s32 @!p0 $0x1082;
	s9 =	sld [smem:$0x3FA4]  }
0x2f: {  	lr =	sadd.s32 s0, s3;
	s0 =	sld [smem:$0x3F9B]  }
0x30: {  	s3 =	sld [smem:$0x3F9E]  }
0x31: {  	[smem:$0x3FA7] =	sst s10  }
0x32: {  	s10 =	sld [smem:$0x3FA5];
	_ =	sdelay $0x3  }
0x33: {  	p0 =	seq.s32 s10, $0x1;
	s10 =	sld [smem:$0x3FA7];
	_ =	sdelay $0x3  }
0x34: {  	[smem:$0x3FA7] =	sst s10  }
0x35: {  	s10 =	sld [smem:$0x3FA6];
	_ =	sdelay $0x3  }
0x36: {  	p1 =	seq.s32 s10, $0x1;
	s10 =	sld [smem:$0x3FA7];
	_ =	sdelay $0x3  }
0x37: {  	[smem:$0x3FA7] =	sst s10  }
0x38: {  	s10 =	sld [smem:$0x3FA8]  }
0x39: {  	_ = 	snop;
	(pc) =	sbr.ind lr, $3  }
0x3a: {  	_ = 	snop  }
0x3b: {  	_ = 	snop  }
0x3c: {  	p2 =	seq.s32 s10, $0x1;
	s10 =	sld [smem:$0x3FA7]  }
0x3d: {  	_ =	shalt  }
0x3e: {  	_ =	shalt  }
0x3f: {  	_ =	shalt  }
0x40: {  	_ =	shalt  }
0x41: {  	_ =	shalt  }
0x42: {  	_ =	shalt  }
0x43: {  	_ =	shalt  }
0x44: {  	_ =	shalt  }
0x45: {  	_ =	shalt  }
0x46: {  	_ =	shalt  }
0x47: {  	_ =	shalt  }
0x48: {  	_ =	shalt  }
0x49: {  	_ =	shalt  }
0x4a: {  	_ =	shalt  }
0x4b: {  	_ =	shalt  }
0x4c: {  	_ =	shalt  }
0x4d: {  	_ =	shalt  }
0x4e: {  	_ =	shalt  }
0x4f: {  	_ =	shalt  }
0x50: {  	_ =	shalt  }
0x51: {  	_ =	shalt  }
0x52: {  	_ =	shalt  }
0x53: {  	_ =	shalt  }
0x54: {  	_ =	shalt  }
0x55: {  	_ =	shalt  }
0x56: {  	_ =	shalt  }
0x57: {  	_ =	shalt  }
0x58: {  	_ =	shalt  }
0x59: {  	_ =	shalt  }
0x5a: {  	_ =	shalt  }
0x5b: {  	_ =	shalt  }
0x5c: {  	_ =	shalt  }
0x5d: {  	_ =	shalt  }
0x5e: {  	_ =	shalt  }
0x5f: {  	_ =	shalt  }
0x60: {  	_ =	shalt  }
0x61: {  	_ =	shalt  }
0x62: {  	_ =	shalt  }
0x63: {  	_ =	shalt  }
0x64: {  	_ =	shalt  }
0x65: {  	_ =	shalt  }
0x66: {  	_ =	shalt  }
0x67: {  	_ =	shalt  }
0x68: {  	_ =	shalt  }
0x69: {  	_ =	shalt  }
0x6a: {  	_ =	shalt  }
0x6b: {  	_ =	shalt  }
0x6c: {  	_ =	shalt  }
0x6d: {  	_ =	shalt  }
0x6e: {  	_ =	shalt  }
0x6f: {  	_ =	shalt  }
0x70: {  	_ =	shalt  }
0x71: {  	_ =	shalt  }
0x72: {  	_ =	shalt  }
0x73: {  	_ =	shalt  }
0x74: {  	_ =	shalt  }
0x75: {  	_ =	shalt  }
0x76: {  	_ =	shalt  }
0x77: {  	_ =	shalt  }
0x78: {  	_ =	shalt  }
0x79: {  	_ =	shalt  }
0x7a: {  	_ =	shalt  }
0x7b: {  	_ =	shalt  }
0x7c: {  	_ =	shalt  }
0x7d: {  	_ =	shalt  }
0x7e: {  	_ =	shalt  }
0x7f: {  	_ =	shalt  }
0x80: {  	_ =	shalt  }
0x81: {  	_ =	shalt  }
0x82: {  	_ =	shalt  }
0x83: {  	_ =	shalt  }
0x84: {  	_ =	shalt  }
0x85: {  	_ =	shalt  }
0x86: {  	_ =	shalt  }
0x87: {  	_ =	shalt  }
.Lfunc_end0:
.L_simem_size_0:
called_computation_lowered:
.L_overlay_start_0:
0x88: {  	s2 =	sld [smem:$0x3FD9]  }
0x89: {  	s3 =	sld [smem:$0x3FFE];
	_ =	sdelay $0x1  }
0x8a: {  	s1 =	srdreg.scid  }
0x8b: {  	s0 =	sand.u32 $0x1, s1  }
0x8c: {  	s14 =	sshll.u32 s0, $0xA;
	s2 =	sadd.s32 s3, s2  }
0x8d: {  	s2 =	sadd.s32 s2, s14  }
0x8e: {  	[smem:$0x3FB3] =	sst s2  }
0x8f: {  	_ = 	snop  }
0x90: {  	s2 =	sld [smem:$0x3FD0];
	_ =	sdelay $0x1  }
0x91: {  	s15 =	sld [smem:$0x3FC7]  }
0x92: {  	s5 =	simm.s32 $0xA;
	s6 =	simm.s32 $0x10;
	s4 =	sld [smem:$0x3FC6]  }
0x93: {  	[smem:s6], [sflag:s5] =	dma.local [hbm:s2], $0x1  }
0x94: {  	_ =	swait.eq [sflag:s5], $0x1  }
0x95: {  	[sflag:s5] =	ssyncset.done $0x0  }
0x96: {  	[sflag:s5] =	ssyncadd.s32 $0xFFFFFFFF  }
0x97: {  	s16 =	sld [smem:$0x10];
	(tm) =	ssettm $0x1  }
0x98: {  	s17 =	sld [smem:$0x3FFB];
	_ =	sdelay $0x3  }
0x99: {  	_ =	strace s17  }
0x9a: {  	s5 =	sld [smem:$0x3FFC];
	_ =	sdelay $0x3  }
0x9b: {  	_ =	strace s5  }
0x9c: {  	s5 =	sld [smem:$0x3FFD];
	_ =	sdelay $0x3  }
0x9d: {  	_ =	strace s5  }
0x9e: {  	_ =	strace $0x8FFFFFFF  }
0x9f: {  	s18 =	sld [smem:$0x3FDB];
	_ =	sdelay $0x1  }
0xa0: {  	s19 =	simm.s32 $_scs_section_size  }
0xa1: {  	s7 =	simm.s32 $_size__tile_overlayer_lowered;
	s8 =	simm.s32 $_tile_overlayer_lowered  }
0xa2: {  	s22 =	simm.s32 $0x1BFF;
	s21 =	sshll.u32 s8, $0x1;
	s5 =	sadd.s32 s19, s18  }
0xa3: {  	s9 =	simm.s32 $0x0;
	s20 =	sshll.u32 s7, $0x1;
	s7 =	sadd.s32 s21, s5  }
0xa4: {  	[timem:s9], [sflag:s22] =	dma.local [hbm:s7], s20  }
0xa5: {  	_ =	swait.ge [sflag:s22], s20  }
0xa6: {  	s6 =	ssub.s32 $0x0, s20;
	[sflag:s22] =	ssyncset.done $0x0  }
0xa7: {  	[sflag:s22] =	ssyncadd.s32 s6;
	_ =	sdelay $0x1  }
0xa8: {  	s23 =	simm.s32 $0x1B8B  }
0xa9: {  	_ =	swait.ge [sflag:s23], $0x1  }
0xaa: {  	[sflag:s23] =	ssyncset.done $0x0  }
0xab: {  	s25 =	simm.s32 $0x1B8E;
	s24 =	sld [smem:$0x3FFE];
	[sflag:s23] =	ssyncadd.s32 $0xFFFFFFFF  }
0xac: {  	s26 =	simm.s32 $execute0_lowered;
	[smem:$0x3FD2] =	sst s25  }
0xad: {  	s7 =	sshll.u32 s26, $0x1;
	_ =	strace $0x80000046;
	[dreg:$0x1] =	wrdreg $0xFFFFFFFF  }
0xae: {  	s28 =	simm.s32 $_size_execute0_lowered;
	s5 =	sadd.s32 s5, s7;
	[dreg:$0x0] =	wrdreg $0x0  }
0xaf: {  	s7 =	sshll.u32 s28, $0x1;
	[dreg:$0x2] =	wrdreg s5  }
0xb0: {  	[dreg:$0x3] =	wrdreg s7  }
0xb1: {  	[dreg:$0x4] =	wrdreg $0xC0  }
0xb2: {  	_ =	task [dreg:s9], $0x5FFFF  }
0xb3: {  	[dreg:$0x1] =	wrdreg $0xFFFFFFFF  }
0xb4: {  	[dreg:$0x0] =	wrdreg $0x60  }
0xb5: {  	[dreg:$0x2] =	wrdreg s16  }
0xb6: {  	[dreg:$0x3] =	wrdreg s15  }
0xb7: {  	[dreg:$0x4] =	wrdreg s4  }
0xb8: {  	[dreg:$0x5] =	wrdreg s24  }
0xb9: {  	[dreg:$0x6] =	wrdreg $0x9  }
0xba: {  	_ =	task.clear_ibuf [dreg:s9], $0x7FFFF;
	_ =	strace $0x90000046  }
0xbb: {  	s29 =	simm.s32 $0x9;
	_ =	strace $0x80000048  }
0xbc: {  	_ =	swait.ge [sflag:s29], $0x1  }
0xbd: {  	[sflag:s29] =	ssyncadd.s32 $0xFFFFFFFF  }
0xbe: {  	_ =	strace $0x90000048  }
0xbf: {  	_ =	sfence  }
0xc0: {  	s30 =	sld [smem:$0x0];
	_ =	sdelay $0x2  }
0xc1: {  	s31 =	sshll.u32 s1, $0xD;
	s1 =	sshrl.u32 s1, $0x2  }
0xc2: {  	s3 =	sand.u32 $0x4000, s31;
	s1 =	sadd.s32 s1, s30  }
0xc3: {  	s0 =	sor.u32 s3, s0;
	s1 =	sshll.u32 s1, $0x11  }
0xc4: {  	s0 =	sor.u32 s1, s0  }
0xc5: {  	s0 =	sadd.s32 $0x8F2B, s0  }
0xc6: {  	[sflag:s0] =	ssyncadd.remote.s32 $0x1  }
0xc7: {  	_ =	sfence.sel $0xFFFF  }
0xc8: {  	[dreg:$0x0] =	wrdreg $0xFFFFFFFF;
	(pc) =	sbr.abs _section_cstart, $3  }
0xc9: {  	[dreg:$0x1] =	wrdreg $0xFFFFFFFF  }
0xca: {  	_ =	task.clear_ibuf [dreg:s9], $0x2FFFF;
	_ =	strace $0x9FFFFFFF  }
0xcb: {  	(tm) =	ssettm $0x7FFFFFFF  }
tec
execute0_lowered:
.L_overlay_start_1:
0x0: {  	(tag) =	ssettag $0x1  }
0x1: {  	s1 =	rddreg [dreg:$0x0]  }
0x2: {  	s2 =	rddreg [dreg:$0x1]  }
0x3: {  	s3 =	rddreg [dreg:$0x2]  }
0x4: {  	s8 =	rddreg [dreg:$0x3]  }
0x5: {  	s0 =	rddreg [dreg:$0x4];
	s6 =	srdreg.scid  }
0x6: {  	s5 =	simm.s32 $0x0;
	s4 =	stileid.u32;
	s11 =	simm.s32 $0x3E8  }
0x7: {  	s12 =	simm.s32 $0x7D0;
	s13 =	simm.s32 $0x101D0;
	s14 =	simm.s32 $0x1  }
0x8: {  	s15 =	simm.s32 $0x40;
	s16 =	simm.s32 $0x80;
	s6 =	sand.u32 $0x1, s6  }
0x9: {  	[smem:$0x7FF] =	sst s5;
	s9 =	sshll.u32 s4, $0x1;
	s7 =	ssub.s32 $0x2, s6  }
0xa: {  	_ =	strace $0x80000047;
	s9 =	sor.u32 s6, s9;
	s10 =	sshrl.u32 s7, $0x1  }
0xb: {  	s6 =	sadd.s32 $0x2800, s8;
	s8 =	sadd.s32 $0x2808, s8;
	s10 =	ssub.s32 s7, s10  }
0xc: {  	s7 =	smul.u32 $0x1388, s9;
	s9 =	smax.u32 s10, $0x1;
	s10 =	simm.s32 $0x2  }
.LBB2_1:
0xd: {  	s17 =	simm.s32 $0x0  }
.LBB2_2:
0xe: {  	s18 =	smul.u32 $0x3E8, s17;
	_ =	sdelay $0x1  }
0xf: {  	s18 =	sadd.s32 s7, s18  }
0x10: {  	s19 =	sshrl.u32 s18, $0x3  }
0x11: {  	s21 =	simm.s32 $0x0;
	s20 =	sadd.s32 s2, s19  }
0x12: {  	[tilespmem:s21], [sflag:$0x2] =	stream.linear.gather [hbm4b:s20+s21], $0x3E8, $0x38;
	[tilespmem:$0x1FBD0] =	vst v63  }
0x13: {  	_ =	swait.ge [sflag:s10], $0x3E8  }
0x14: {  	[sflag:s10] =	ssyncset.done $0x0  }
0x15: {  	s31 =	sadd.s32 s3, s19;
	[sflag:s10] =	ssyncadd.s32 $0xFFFFFC18  }
0x16: {  	[tilespmem:s11], [sflag:$0x2] =	stream.linear.gather [hbm4b:s31+s21], $0x3E8, $0x38;
	[tilespmem:$0x1FBD0] =	vst v63  }
0x17: {  	_ =	swait.ge [sflag:s10], $0x3E8  }
0x18: {  	[sflag:s10] =	ssyncset.done $0x0  }
0x19: {  	[sflag:s10] =	ssyncadd.s32 $0xFFFFFC18  }
0x1a: {  	[tilespmem:s12], [sflag:$0x1] =	stream.indirect.gather [hbm4b:s1+s11], $0x40, s21, s11, $0xb8;
	[tilespmem:$0x1FBD0] =	vst v63  }
0x1b: {  	_ = 	snop  }
0x1c: {  	[tilespmem:s13], [sflag:$0x1] =	stream.indirect.gather [hbm4b:s1+s11], $0x40, s11, s11, $0xb8;
	[tilespmem:$0x1FBD0] =	vst v63  }
0x1d: {  	_ =	swait.ge [sflag:s14], $0xFA00  }
0x1e: {  	[sflag:s14] =	ssyncset.done $0x0  }
0x1f: {  	[sflag:s14] =	ssyncadd.s32 $0xFFFF0600  }
0x20: {  	_ =	swait.ge [sflag:s14], $0xFA00  }
0x21: {  	[sflag:s14] =	ssyncset.done $0x0  }
0x22: {  	s20 =	simm.s32 $0x0;
	[sflag:s14] =	ssyncadd.s32 $0xFFFF0600  }
0x23: {  	v5 =	vld [tilespmem:s20+$0x101D0]  }
0x24: {  	v6 =	vld [tilespmem:s20+$0x101E0]  }
0x25: {  	v1 =	vld [tilespmem:s20+$0x101F0]  }
0x26: {  	v0 =	vld [tilespmem:s20+$0x10200]  }
0x27: {  	v2 =	vld [tilespmem:s20+$0x7D0]  }
0x28: {  	v4 =	vld [tilespmem:s20+$0x7E0]  }
0x29: {  	s21 =	simm.s32 $0x100;
	v3 =	vld [tilespmem:s20+$0x7F0]  }
.LBB2_3:
0x2a: {  	s22 =	sshra.s32 s21, $0x2;
	p0 =	sne.s32 s21, $0x3E700;
	v7 =	vld [tilespmem:s20+$0x800];
	v8 =	vmov v1  }
0x2b: {  	v9 =	vld [tilespmem:s22+$0x101D0];
	v10 =	vmov v0  }
0x2c: {  	v11 =	vld [tilespmem:s22+$0x101E0];
	v2 =	vmul.f32 v5, v2  }
.Ltmp0:
0x2d: {  	v1 =	vld [tilespmem:s22+$0x101F0];
	v4 =	vmul.f32 v6, v4;
	(pc) =	sbr.rel @p0 .LBB2_3-.Ltmp0, $4  }
0x2e: {  	v0 =	vld [tilespmem:s22+$0x10200];
	[tilespmem:s20+$0x7D0] =	vst v2;
	v3 =	vmul.f32 v8, v3  }
0x2f: {  	v2 =	vld [tilespmem:s22+$0x7D0];
	[tilespmem:s20+$0x7E0] =	vst v4;
	v7 =	vmul.f32 v10, v7  }
0x30: {  	v4 =	vld [tilespmem:s22+$0x7E0];
	[tilespmem:s20+$0x7F0] =	vst v3;
	v5 =	vmov v9  }
0x31: {  	s21 =	sadd.s32 $0x100, s21;
	v3 =	vld [tilespmem:s22+$0x7F0];
	[tilespmem:s20+$0x800] =	vst v7;
	v6 =	vmov v11;
	s20 =	smov.u32 s22  }
0x32: {  	v7 =	vld [tilespmem:s20+$0x800];
	_ =	sdelay $0x1  }
0x33: {  	v2 =	vmul.f32 v5, v2  }
0x34: {  	v4 =	vmul.f32 v6, v4  }
0x35: {  	[tilespmem:s20+$0x7D0] =	vst v2;
	v1 =	vmul.f32 v1, v3  }
0x36: {  	[tilespmem:s20+$0x7E0] =	vst v4;
	v0 =	vmul.f32 v0, v7  }
0x37: {  	s18 =	sshll.u32 s18, $0x4;
	[tilespmem:s20+$0x7F0] =	vst v1  }
0x38: {  	s30 =	sadd.s32 s6, s18;
	[tilespmem:s20+$0x800] =	vst v0  }
0x39: {  	[hbm4b:s30+s15] =	stream.strided.scatter [tilespmem:s12], [sflag:$0x2], $0xFA00, s16, s15, $0x38;
	[tilespmem:$0x1FBD0] =	vst v63  }
0x3a: {  	_ =	swait.ge [sflag:s10], $0xFA00  }
0x3b: {  	s19 =	sadd.s32 $0x4E20, s19;
	[sflag:s10] =	ssyncset.done $0x0  }
0x3c: {  	s21 =	simm.s32 $0x0;
	s31 =	sadd.s32 s2, s19;
	[sflag:s10] =	ssyncadd.s32 $0xFFFF0600  }
0x3d: {  	[tilespmem:s21], [sflag:$0x2] =	stream.linear.gather [hbm4b:s31+s21], $0x3E8, $0x38;
	[tilespmem:$0x1FBD0] =	vst v63  }
0x3e: {  	_ =	swait.ge [sflag:s10], $0x3E8  }
0x3f: {  	[sflag:s10] =	ssyncset.done $0x0  }
0x40: {  	s19 =	sadd.s32 s3, s19;
	[sflag:s10] =	ssyncadd.s32 $0xFFFFFC18  }
0x41: {  	[tilespmem:s11], [sflag:$0x2] =	stream.linear.gather [hbm4b:s19+s21], $0x3E8, $0x38;
	[tilespmem:$0x1FBD0] =	vst v63  }
0x42: {  	_ =	swait.ge [sflag:s10], $0x3E8  }
0x43: {  	[sflag:s10] =	ssyncset.done $0x0  }
0x44: {  	[sflag:s10] =	ssyncadd.s32 $0xFFFFFC18  }
0x45: {  	[tilespmem:s12], [sflag:$0x1] =	stream.indirect.gather [hbm4b:s1+s11], $0x40, s21, s11, $0xb8;
	[tilespmem:$0x1FBD0] =	vst v63  }
0x46: {  	_ = 	snop  }
0x47: {  	[tilespmem:s13], [sflag:$0x1] =	stream.indirect.gather [hbm4b:s1+s11], $0x40, s11, s11, $0xb8;
	[tilespmem:$0x1FBD0] =	vst v63  }
0x48: {  	_ =	swait.ge [sflag:s14], $0xFA00  }
0x49: {  	[sflag:s14] =	ssyncset.done $0x0  }
0x4a: {  	[sflag:s14] =	ssyncadd.s32 $0xFFFF0600  }
0x4b: {  	_ =	swait.ge [sflag:s14], $0xFA00  }
0x4c: {  	[sflag:s14] =	ssyncset.done $0x0  }
0x4d: {  	s19 =	simm.s32 $0x0;
	[sflag:s14] =	ssyncadd.s32 $0xFFFF0600  }
0x4e: {  	v5 =	vld [tilespmem:s19+$0x101D0]  }
0x4f: {  	v6 =	vld [tilespmem:s19+$0x101E0]  }
0x50: {  	v1 =	vld [tilespmem:s19+$0x101F0]  }
0x51: {  	v0 =	vld [tilespmem:s19+$0x10200]  }
0x52: {  	v2 =	vld [tilespmem:s19+$0x7D0]  }
0x53: {  	v4 =	vld [tilespmem:s19+$0x7E0]  }
0x54: {  	s20 =	simm.s32 $0x100;
	v3 =	vld [tilespmem:s19+$0x7F0]  }
.LBB2_5:
0x55: {  	s21 =	sshra.s32 s20, $0x2;
	p0 =	sne.s32 s20, $0x3E700;
	v7 =	vld [tilespmem:s19+$0x800];
	v8 =	vmov v1  }
0x56: {  	v9 =	vld [tilespmem:s21+$0x101D0];
	v10 =	vmov v0  }
0x57: {  	v11 =	vld [tilespmem:s21+$0x101E0];
	v2 =	vmul.f32 v5, v2  }
.Ltmp1:
0x58: {  	v1 =	vld [tilespmem:s21+$0x101F0];
	v4 =	vmul.f32 v6, v4;
	(pc) =	sbr.rel @p0 .LBB2_5-.Ltmp1, $4  }
0x59: {  	v0 =	vld [tilespmem:s21+$0x10200];
	[tilespmem:s19+$0x7D0] =	vst v2;
	v3 =	vmul.f32 v8, v3  }
0x5a: {  	v2 =	vld [tilespmem:s21+$0x7D0];
	[tilespmem:s19+$0x7E0] =	vst v4;
	v7 =	vmul.f32 v10, v7  }
0x5b: {  	v4 =	vld [tilespmem:s21+$0x7E0];
	[tilespmem:s19+$0x7F0] =	vst v3;
	v5 =	vmov v9  }
0x5c: {  	s20 =	sadd.s32 $0x100, s20;
	v3 =	vld [tilespmem:s21+$0x7F0];
	[tilespmem:s19+$0x800] =	vst v7;
	v6 =	vmov v11;
	s19 =	smov.u32 s21  }
0x5d: {  	v7 =	vld [tilespmem:s19+$0x800];
	_ =	sdelay $0x1  }
0x5e: {  	v2 =	vmul.f32 v5, v2  }
0x5f: {  	v4 =	vmul.f32 v6, v4  }
0x60: {  	[tilespmem:s19+$0x7D0] =	vst v2;
	v1 =	vmul.f32 v1, v3  }
0x61: {  	s17 =	sadd.s32 $0x1, s17;
	[tilespmem:s19+$0x7E0] =	vst v4;
	v0 =	vmul.f32 v0, v7  }
0x62: {  	p0 =	sne.s32 s17, $0x5;
	[tilespmem:s19+$0x7F0] =	vst v1  }
.Ltmp2:
0x63: {  	s18 =	sadd.s32 s18, s8;
	[tilespmem:s19+$0x800] =	vst v0;
	(pc) =	sbr.rel @p0 .LBB2_2-.Ltmp2, $4  }
0x64: {  	[hbm4b:s18+s15] =	stream.strided.scatter [tilespmem:s12], [sflag:$0x2], $0xFA00, s16, s15, $0x38;
	[tilespmem:$0x1FBD0] =	vst v63  }
0x65: {  	_ =	swait.ge [sflag:s10], $0xFA00  }
0x66: {  	[sflag:s10] =	ssyncset.done $0x0  }
0x67: {  	[sflag:s10] =	ssyncadd.s32 $0xFFFF0600  }
0x68: {  	s5 =	sadd.s32 $0x1, s5  }
0x69: {  	p0 =	sne.s32 s5, s9  }
.Ltmp3:
0x6a: {  	_ = 	snop;
	(pc) =	sbr.rel @p0 .LBB2_1-.Ltmp3, $1  }
0x6b: {  	_ =	sdelay $0x3  }
0x6c: {  	_ =	sfence.sel $0x180000  }
0x6d: {  	[bflag:$0x0] =	sbarrier.arrive $0xFFFF  }
0x6e: {  	p0 =	sne.s32 s4, $0x0;
	_ =	strace $0x90000047  }
0x6f: {  	s0 =	sadd.s32 @!p0 $0x100000, s0;
	[bflag:$0x2] =	sbarrier.arrive $0xFFFF  }
0x70: {  	[sflag:s0] =	ssyncadd.tile.s32 @!p0 $0x1;
	_ =	shalt  }
.Lfunc_end2:
_tile_overlayer_lowered:
.L_overlay_start_2:
0x71: {  	(tag) =	ssettag $0x2  }
0x72: {  	s0 =	rddreg [dreg:$0x0];
	s2 =	stileid.u32  }
0x73: {  	s1 =	rddreg [dreg:$0x1];
	p0 =	sne.s32 s2, $0x0  }
0x74: {  	s3 =	rddreg [dreg:$0x2];
	[bflag:$0x3] =	sbarrier.arrive $0xFFFF;
	s2 =	simm.s32 @!p0 $0x1C02  }
0x75: {  	[timem:s3], [sflag:s2] =	dma.local @!p0 [hbm:s0], s1  }
0x76: {  	s0 =	simm.s32 @!p0 $0x2  }
0x77: {  	_ =	swait.ge @!p0 [sflag:s0], s1  }
0x78: {  	s1 =	ssub.s32 @!p0 $0x0, s1;
	[sflag:s0] =	ssyncset.done @!p0 $0x0  }
0x79: {  	[sflag:s0] =	ssyncadd.s32 @!p0 s1  }
0x7a: {  	[bflag:$0x3] =	sbarrier.arrive $0xFFFF  }
0x7b: {  	_ =	shalt  }

</sc_bundles>
